<compile_context>
chip_gen: v7x
topology: tpu7x:2x2x1
jax: 0.10.2.dev20260603
libtpu: 0.0.44.dev20260713+nightly
codegen_flags: <defaults>
</compile_context>

<pallas_src>
import functools

import numpy as np
import jax
import jax.numpy as jnp
from jax import lax
from jax.experimental import pallas as pl
from jax.experimental.pallas import tpu as pltpu
from jax.experimental.pallas import tpu_sc as plsc

N_NODES = 50000
N_EDGES = 800000
SH_DIM = 9
ONEHOT = 64
NBASIS = 8
LATENT = 64
MUL = 8
R_MAX = 6.0
OUT_DIM = MUL * 9
AVG_NEIGH = 16.0
EPS = 1e-8

_BE = 3200
_GRID_E = N_EDGES // _BE
_BN = 2000

_SIN_C = [3.2191201543092185, -14.883436518674236, 42.02049115694533,
          -76.70215249557859, 81.60506489900605, -41.341698212287454,
          6.283185281863447]


def _build_expand():
    ew = np.zeros((3 * MUL, OUT_DIM), np.float32)
    es = np.zeros((SH_DIM, OUT_DIM), np.float32)
    for m in range(MUL):
        ew[m, m] = 1.0
        es[0, m] = 1.0
    for m in range(MUL):
        for k in range(3):
            f = MUL + m * 3 + k
            ew[MUL + m, f] = 1.0
            es[1 + k, f] = 1.0
    for m in range(MUL):
        for k in range(5):
            f = 4 * MUL + m * 5 + k
            ew[2 * MUL + m, f] = 1.0
            es[4 + k, f] = 1.0
    return ew, es


_EW_NP, _ES_NP = _build_expand()


def _edge_body(ohT_ref, shT_ref, len_ref, w1T_ref, w2T_ref, wenvT_ref,
               ewT_ref, esT_ref, b1c_ref, b2c_ref, benvc_ref, bwc_ref,
               latT_ref, featT_ref, featR_ref, cut_ref):
    r = len_ref[0]
    arg = bwc_ref[...] * (r * (1.0 / R_MAX))
    u = arg * (1.0 / (2.0 * np.pi))
    f = u - jnp.floor(u + 0.5)
    z = f * f
    s = jnp.float32(_SIN_C[0])
    for c in _SIN_C[1:]:
        s = s * z + jnp.float32(c)
    s = s * f
    pref = (2.0 / R_MAX) ** 0.5
    besT = s * (pref / r)
    x = r * (1.0 / R_MAX)
    x2 = x * x
    x3 = x2 * x
    x6 = x3 * x3
    x7 = x6 * x
    x8 = x7 * x
    cut = 1.0 - 28.0 * x6 + 48.0 * x7 - 21.0 * x8
    cut = jnp.where(x < 1.0, cut, 0.0)
    mask = cut > 0.0
    w1T = w1T_ref[...]
    hT = (jnp.dot(w1T[:, 0:ONEHOT], ohT_ref[...],
                  preferred_element_type=jnp.float32)
          + jnp.dot(w1T[:, ONEHOT:], besT,
                    preferred_element_type=jnp.float32)
          + b1c_ref[...])
    hT = hT * jax.nn.sigmoid(hT)
    latT = jnp.dot(w2T_ref[...], hT,
                   preferred_element_type=jnp.float32) + b2c_ref[...]
    latT = jnp.where(mask, cut * latT, 0.0)
    latT_ref[...] = latT
    wtsT = jnp.dot(wenvT_ref[...], latT,
                   preferred_element_type=jnp.float32) + benvc_ref[...]
    featT = (jnp.dot(ewT_ref[...], wtsT, preferred_element_type=jnp.float32)
             * jnp.dot(esT_ref[...], shT_ref[...],
                       preferred_element_type=jnp.float32))
    featT = jnp.where(mask, featT, 0.0)
    featT_ref[...] = featT
    featR_ref[:, 0:OUT_DIM] = featT.T
    cut_ref[...] = cut[None]


def _edge_call(edge_one_hot, edge_sh, edge_length, bessel_w, W1, b1, W2, b2,
               Wenv, benv):
    def full(shape):
        return pl.BlockSpec(shape, lambda i: (0, 0))

    return pl.pallas_call(
        _edge_body,
        grid=(_GRID_E,),
        in_specs=[pl.BlockSpec((ONEHOT, _BE), lambda i: (0, i)),
                  pl.BlockSpec((SH_DIM, _BE), lambda i: (0, i)),
                  pl.BlockSpec((1, 1, _BE), lambda i: (i, 0, 0)),
                  full((LATENT, ONEHOT + NBASIS)), full((LATENT, LATENT)),
                  full((3 * MUL, LATENT)), full((OUT_DIM, 3 * MUL)),
                  full((OUT_DIM, SH_DIM)), full((LATENT, 1)),
                  full((LATENT, 1)), full((3 * MUL, 1)), full((NBASIS, 1))],
        out_specs=[pl.BlockSpec((LATENT, _BE), lambda i: (0, i)),
                   pl.BlockSpec((OUT_DIM, _BE), lambda i: (0, i)),
                   pl.BlockSpec((_BE, 128), lambda i: (i, 0)),
                   pl.BlockSpec((1, 1, _BE), lambda i: (i, 0, 0))],
        out_shape=[jax.ShapeDtypeStruct((LATENT, N_EDGES), jnp.float32),
                   jax.ShapeDtypeStruct((OUT_DIM, N_EDGES), jnp.float32),
                   jax.ShapeDtypeStruct((N_EDGES, 128), jnp.float32),
                   jax.ShapeDtypeStruct((_GRID_E, 1, _BE), jnp.float32)],
    )(edge_one_hot.T, edge_sh.T, edge_length.reshape(_GRID_E, 1, _BE), W1.T,
      W2.T, Wenv.T, jnp.asarray(_EW_NP.T), jnp.asarray(_ES_NP.T),
      b1.reshape(-1, 1), b2.reshape(-1, 1), benv.reshape(-1, 1),
      bessel_w.reshape(-1, 1))


_NSUB = 16
_NCORE = 2
_E_SUB = N_EDGES // _NSUB
_K = 112
_NCHUNK = _E_SUB // _K
_HALF = N_NODES // _NCORE
_ZROWS = 1568
_ACC_ROWS = _ZROWS * _NSUB


def _scatter_body(feat_hbm, center_hbm, zeros_hbm, out_hbm, accum,
                  fbuf0, fbuf1, cbuf0, cbuf1, libuf0, libuf1, ltail,
                  sem0, sem1):
    c = lax.axis_index("c")
    s = lax.axis_index("s")
    pltpu.sync_copy(zeros_hbm, accum.at[pl.ds(s * _ZROWS, _ZROWS)])
    plsc.subcore_barrier()
    base_node = c * _HALF
    ebase = s * _E_SUB

    def start(j, fbuf, cbuf, sem):
        off = pl.multiple_of(ebase + j * _K, 8)
        pltpu.async_copy(feat_hbm.at[pl.ds(off, _K), pl.ds(0, OUT_DIM)],
                         fbuf, sem)
        pltpu.async_copy(center_hbm.at[pl.ds(off, _K)], cbuf, sem)

    def drain(fbuf, cbuf, sem):
        pltpu.make_async_copy(feat_hbm.at[pl.ds(0, _K), pl.ds(0, OUT_DIM)],
                              fbuf, sem).wait()
        pltpu.make_async_copy(center_hbm.at[pl.ds(0, _K)], cbuf, sem).wait()

    def scatter(fbuf, cbuf, libuf):
        for t in range(_K // 16):
            ci = cbuf[pl.ds(t * 16, 16)]
            li = ci - base_node
            oob = (li < 0) | (li >= _HALF)
            libuf[pl.ds(t * 16, 16)] = jnp.where(oob, _HALF + (ci & 63), li)
        pltpu.sync_copy(fbuf, accum.at[libuf], add=True)

    start(0, fbuf0, cbuf0, sem0)

    def pair(m, carry):
        j = m * 2
        start(j + 1, fbuf1, cbuf1, sem1)
        drain(fbuf0, cbuf0, sem0)
        scatter(fbuf0, cbuf0, libuf0)
        start(j + 2, fbuf0, cbuf0, sem0)
        drain(fbuf1, cbuf1, sem1)
        scatter(fbuf1, cbuf1, libuf1)
        return carry

    lax.fori_loop(0, (_NCHUNK - 1) // 2, pair, 0)
    start(_NCHUNK - 1, fbuf1, cbuf1, sem1)
    drain(fbuf0, cbuf0, sem0)
    scatter(fbuf0, cbuf0, libuf0)
    drain(fbuf1, cbuf1, sem1)
    scatter(fbuf1, cbuf1, libuf1)
    toff = pl.multiple_of(ebase + _NCHUNK * _K, 8)
    pltpu.sync_copy(feat_hbm.at[pl.ds(toff, 48), pl.ds(0, OUT_DIM)],
                    fbuf0.at[pl.ds(0, 48)])
    pltpu.sync_copy(center_hbm.at[pl.ds(toff, 48)], cbuf0.at[pl.ds(0, 48)])
    for t in range(3):
        ci = cbuf0[pl.ds(t * 16, 16)]
        li = ci - base_node
        oob = (li < 0) | (li >= _HALF)
        ltail[pl.ds(t * 16, 16)] = jnp.where(oob, _HALF + (ci & 63), li)
    pltpu.sync_copy(fbuf0.at[pl.ds(0, 48)], accum.at[ltail], add=True)
    plsc.subcore_barrier()
    off = s * 1560
    pltpu.sync_copy(accum.at[pl.ds(off, 1560)],
                    out_hbm.at[pl.ds(c * _HALF + off, 1560)])

    @pl.when(s == _NSUB - 1)
    def _():
        pltpu.sync_copy(accum.at[pl.ds(16 * 1560, 40)],
                        out_hbm.at[pl.ds(c * _HALF + 16 * 1560, 40)])


@functools.lru_cache(maxsize=1)
def _get_scatter():
    return pl.kernel(
        _scatter_body,
        out_type=jax.ShapeDtypeStruct((N_NODES, OUT_DIM), jnp.float32),
        mesh=plsc.VectorSubcoreMesh(core_axis_name="c", subcore_axis_name="s",
                                    num_cores=_NCORE, num_subcores=_NSUB),
        scratch_types=[
            pltpu.VMEM_SHARED((_ACC_ROWS, OUT_DIM), jnp.float32),
            pltpu.VMEM((_K, OUT_DIM), jnp.float32),
            pltpu.VMEM((_K, OUT_DIM), jnp.float32),
            pltpu.VMEM((_K,), jnp.int32),
            pltpu.VMEM((_K,), jnp.int32),
            pltpu.VMEM((_K,), jnp.int32),
            pltpu.VMEM((_K,), jnp.int32),
            pltpu.VMEM((48,), jnp.int32),
            pltpu.SemaphoreType.DMA,
            pltpu.SemaphoreType.DMA,
        ],
        compiler_params=pltpu.CompilerParams(use_tc_tiling_on_sc=False),
    )


def _ln_body(x_ref, g0_ref, bt0_ref, g1_ref, g2_ref, o_ref):
    x = x_ref[...] * jnp.float32(AVG_NEIGH ** -0.5)
    sc = x[:, 0:MUL]
    mu = jnp.mean(sc, axis=1, keepdims=True)
    var = jnp.mean((sc - mu) ** 2, axis=1, keepdims=True)
    sn = (sc - mu) * lax.rsqrt(var + EPS) * g0_ref[...] + bt0_ref[...]
    v1 = x[:, MUL:4 * MUL]
    n1 = lax.rsqrt(jnp.mean(v1 * v1, axis=1, keepdims=True) + EPS)
    v1 = v1 * n1 * g1_ref[...]
    v2 = x[:, 4 * MUL:9 * MUL]
    n2 = lax.rsqrt(jnp.mean(v2 * v2, axis=1, keepdims=True) + EPS)
    v2 = v2 * n2 * g2_ref[...]
    o_ref[...] = jnp.concatenate([sn, v1, v2], axis=1)


def _ln_call(nodes, g0, bt0, g1, g2):
    grid = (N_NODES // _BN,)

    def full(shape):
        return pl.BlockSpec(shape, lambda i: (0, 0))

    return pl.pallas_call(
        _ln_body,
        grid=grid,
        in_specs=[pl.BlockSpec((_BN, OUT_DIM), lambda i: (i, 0)),
                  full((1, MUL)), full((1, MUL)),
                  full((1, 3 * MUL)), full((1, 5 * MUL))],
        out_specs=pl.BlockSpec((_BN, OUT_DIM), lambda i: (i, 0)),
        out_shape=jax.ShapeDtypeStruct((N_NODES, OUT_DIM), jnp.float32),
    )(nodes, g0.reshape(1, -1), bt0.reshape(1, -1),
      jnp.repeat(g1, 3).reshape(1, -1), jnp.repeat(g2, 5).reshape(1, -1))


def kernel(edge_index, atom_type, bond_type, edge_sh, edge_length, edge_one_hot,
           bessel_w, W1, b1, W2, b2, Wenv, benv, g0, bt0, g1, g2):
    latT, featT, featR, cut2 = _edge_call(edge_one_hot, edge_sh, edge_length,
                                          bessel_w, W1, b1, W2, b2, Wenv, benv)
    lat = latT.T
    feat = featT.T
    zeros = jnp.zeros((_ZROWS, OUT_DIM), jnp.float32)
    nodes = _get_scatter()(featR, edge_index[0], zeros)
    node_out = _ln_call(nodes, g0, bt0, g1, g2)
    cutoff = cut2.reshape(N_EDGES)
    mask = cutoff > 0.0
    return lat, node_out, feat, cutoff, mask

# --- scband reference (transcript-rebuilt; emitter-appended) ---
"""Pipeline reference for scband-lem-light-v2-30477087933090 (READ-ONLY COPY).

The authoritative reference and input builder live on the scoring server;
editing this copy changes nothing except your own understanding.
"""

import jax, jax.numpy as jnp
import numpy as np

N_NODES = 50000
N_EDGES = 800000
SH_DIM = 9
ONEHOT = 64
NBASIS = 8
LATENT = 64
MUL = 8
R_MAX = 6.0
P = 6.0
OUT_DIM = MUL * 9
W_NUMEL = 3 * MUL
AVG_NEIGH = 16.0
EPS = 1e-8


def _silu(x):
    return x * jax.nn.sigmoid(x)


def _bessel(r, w):
    pref = (2.0 / R_MAX) ** 0.5
    return pref * jnp.sin(w[None, :] * r[:, None] / R_MAX) / r[:, None]


def _poly_cutoff(r):
    x = r / R_MAX
    p = P
    out = (1.0 - ((p + 1.0) * (p + 2.0) / 2.0) * x ** p
           + p * (p + 2.0) * x ** (p + 1.0)
           - (p * (p + 1.0) / 2.0) * x ** (p + 2.0))
    return out * (x < 1.0)


def _forward(edge_sh, edge_length, edge_one_hot, bessel_w, W1, b1, W2, b2,
             Wenv, benv, g0, bt0, g1, g2, edge_index, atom_type):
    edge_center = edge_index[0]
    edge_inv = _bessel(edge_length, bessel_w)
    cutoff = _poly_cutoff(edge_length)
    mask = cutoff > 0.0
    # two-body latent MLP on [one_hot || bessel]
    h = jnp.concatenate([edge_one_hot, edge_inv], axis=-1)
    h = _silu(h @ W1 + b1)
    new_lat = h @ W2 + b2
    latents = jnp.where(mask[:, None], cutoff[:, None] * new_lat, 0.0)
    # env_embed_mlp -> per-edge weights for irrep-wise linear (1x -> MULx per l)
    weights = latents @ Wenv + benv
    w0 = weights[:, 0:MUL]
    w1 = weights[:, MUL:2 * MUL]
    w2 = weights[:, 2 * MUL:3 * MUL]
    f0 = (w0[:, :, None] * edge_sh[:, 0:1][:, None, :]).reshape(-1, MUL * 1)
    f1 = (w1[:, :, None] * edge_sh[:, 1:4][:, None, :]).reshape(-1, MUL * 3)
    f2 = (w2[:, :, None] * edge_sh[:, 4:9][:, None, :]).reshape(-1, MUL * 5)
    edge_features = jnp.concatenate([f0, f1, f2], axis=-1)
    edge_features = jnp.where(mask[:, None], edge_features, 0.0)
    # scatter-add to center nodes
    node_features = jax.ops.segment_sum(edge_features, edge_center, num_segments=N_NODES)
    node_features = node_features * (AVG_NEIGH ** -0.5)
    # separable layer norm: standard LN on scalars, RMS-per-degree on l>0
    s = node_features[:, 0:MUL]
    v1 = node_features[:, MUL:MUL + 3 * MUL].reshape(-1, MUL, 3)
    v2 = node_features[:, MUL + 3 * MUL:].reshape(-1, MUL, 5)
    mu = jnp.mean(s, axis=-1, keepdims=True)
    var = jnp.mean((s - mu) ** 2, axis=-1, keepdims=True)
    s = (s - mu) / jnp.sqrt(var + EPS) * g0 + bt0
    n1 = jnp.sqrt(jnp.mean(v1 ** 2, axis=(1, 2), keepdims=True) + EPS)
    n2 = jnp.sqrt(jnp.mean(v2 ** 2, axis=(1, 2), keepdims=True) + EPS)
    v1 = v1 / n1 * g1[None, :, None]
    v2 = v2 / n2 * g2[None, :, None]
    node_out = jnp.concatenate([s, v1.reshape(-1, 3 * MUL), v2.reshape(-1, 5 * MUL)], axis=-1)
    return latents, node_out, edge_features, cutoff, mask


def setup_inputs(seed: int = 0):
    key = jax.random.key(seed)
    ks = jax.random.split(key, 16)
    edge_index = jax.random.randint(ks[0], (2, N_EDGES), 0, N_NODES, dtype=jnp.int32)
    atom_type = jax.random.randint(ks[1], (N_NODES,), 0, 4, dtype=jnp.int32)
    bond_type = jax.random.randint(ks[2], (N_EDGES,), 0, 10, dtype=jnp.int32)
    edge_sh = jax.random.normal(ks[3], (N_EDGES, SH_DIM), dtype=jnp.float32)
    edge_length = jax.random.uniform(ks[4], (N_EDGES,), dtype=jnp.float32) * (R_MAX - 0.2) + 0.1
    edge_one_hot = jax.random.normal(ks[5], (N_EDGES, ONEHOT), dtype=jnp.float32) * 0.1
    bessel_w = jnp.pi * jnp.arange(1, NBASIS + 1, dtype=jnp.float32)
    W1 = jax.random.normal(ks[6], (ONEHOT + NBASIS, LATENT), dtype=jnp.float32) / np.sqrt(ONEHOT + NBASIS)
    b1 = jnp.zeros((LATENT,), dtype=jnp.float32)
    W2 = jax.random.normal(ks[7], (LATENT, LATENT), dtype=jnp.float32) / np.sqrt(LATENT)
    b2 = jnp.zeros((LATENT,), dtype=jnp.float32)
    Wenv = jax.random.normal(ks[8], (LATENT, W_NUMEL), dtype=jnp.float32) / np.sqrt(LATENT)
    benv = jnp.zeros((W_NUMEL,), dtype=jnp.float32)
    g0 = jnp.ones((MUL,), dtype=jnp.float32)
    bt0 = jnp.zeros((MUL,), dtype=jnp.float32)
    g1 = jnp.ones((MUL,), dtype=jnp.float32)
    g2 = jnp.ones((MUL,), dtype=jnp.float32)
    return {"edge_index": edge_index, "atom_type": atom_type, "bond_type": bond_type,
            "edge_sh": edge_sh, "edge_length": edge_length, "edge_one_hot": edge_one_hot,
            "bessel_w": bessel_w, "W1": W1, "b1": b1, "W2": W2, "b2": b2,
            "Wenv": Wenv, "benv": benv, "g0": g0, "bt0": bt0, "g1": g1, "g2": g2}


def reference(edge_index, atom_type, bond_type, edge_sh, edge_length, edge_one_hot,
              bessel_w, W1, b1, W2, b2, Wenv, benv, g0, bt0, g1, g2):
    return _forward(edge_sh, edge_length, edge_one_hot, bessel_w, W1, b1, W2, b2,
                    Wenv, benv, g0, bt0, g1, g2, edge_index, atom_type)

if __name__ == "__main__":
    import jax
    _d = setup_inputs()
    print(jax.jit(kernel)(*tuple(_d.values())))

</pallas_src>

<mosaic_0001>
#map = affine_map<(d0, d1) -> (0, 0)>
#map1 = affine_map<(d0, d1) -> (0)>
module attributes {stable_mosaic.version = 14 : i64} {
  func.func @_scatter_body(%arg0: i32, %arg1: i32, %arg2: memref<800000x128xf32, #tpu.memory_space<hbm>>, %arg3: memref<800000xi32, #tpu.memory_space<hbm>>, %arg4: memref<1568x72xf32, #tpu.memory_space<hbm>>, %arg5: memref<50000x72xf32, #tpu.memory_space<hbm>>, %arg6: memref<25088x72xf32, #tpu.memory_space<vmem_shared>>, %arg7: memref<112x72xf32, #tpu.memory_space<vmem>>, %arg8: memref<112x72xf32, #tpu.memory_space<vmem>>, %arg9: memref<112xi32, #tpu.memory_space<vmem>>, %arg10: memref<112xi32, #tpu.memory_space<vmem>>, %arg11: memref<112xi32, #tpu.memory_space<vmem>>, %arg12: memref<112xi32, #tpu.memory_space<vmem>>, %arg13: memref<48xi32, #tpu.memory_space<vmem>>, %arg14: memref<!tpu.dma_semaphore, #tpu.memory_space<semaphore_mem>>, %arg15: memref<!tpu.dma_semaphore, #tpu.memory_space<semaphore_mem>>) attributes {dimension_semantics = [#tpu.dimension_semantics<core_parallel>, #tpu.dimension_semantics<subcore_parallel>], iteration_bounds = array<i64: 2, 16>, scalar_prefetch = 0 : i64, scratch_operands = 10 : i64, tpu.core_type = #tpu.core_type<sc_vector_subcore>, window_params = [{transform_indices = #map}, {transform_indices = #map1}, {transform_indices = #map}, {transform_indices = #map}]} {
    %mul3A = arith.constant 1568 : i32
    %mul3A_0 = arith.muli %arg1, %mul3A : i32
    "tpu.region"() ({
      %run_scoped3A = tpu.sem_alloc : memref<!tpu.dma_semaphore, #tpu.memory_space<semaphore_mem>>
      %dma_start3A_438 = arith.constant 0 : i32
      %dma_start3A_439 = tpu.memref_slice %arg6[%mul3A_0, %dma_start3A_438] : memref<25088x72xf32, #tpu.memory_space<vmem_shared>> -> memref<1568x72xf32, #tpu.memory_space<vmem_shared>>
      tpu.enqueue_dma source(%arg4 : memref<1568x72xf32, #tpu.memory_space<hbm>>) target(%dma_start3A_439 : memref<1568x72xf32, #tpu.memory_space<vmem_shared>>) target_semaphore(%run_scoped3A : memref<!tpu.dma_semaphore, #tpu.memory_space<semaphore_mem>>)
      %dma_wait3A_440 = arith.constant 0 : i32
      %dma_wait3A_441 = tpu.memref_slice %arg6[%mul3A_0, %dma_wait3A_440] : memref<25088x72xf32, #tpu.memory_space<vmem_shared>> -> memref<1568x72xf32, #tpu.memory_space<vmem_shared>>
      tpu.wait_dma2 semaphore(%run_scoped3A : memref<!tpu.dma_semaphore, #tpu.memory_space<semaphore_mem>>) src(%arg4 : memref<1568x72xf32, #tpu.memory_space<hbm>>) dst(%dma_wait3A_441 : memref<1568x72xf32, #tpu.memory_space<vmem_shared>>)
      tpu.yield
    }) : () -> ()
    %barrier3A = arith.constant 0 : index
    tpu.barrier barrier_id(%barrier3A)
    %mul3A_1 = arith.constant 25000 : i32
    %mul3A_2 = arith.muli %arg0, %mul3A_1 : i32
    %mul3A_3 = arith.constant 50000 : i32
    %mul3A_4 = arith.muli %arg1, %mul3A_3 : i32
    %add3A = arith.constant 0 : i32
    %add3A_5 = arith.addi %mul3A_4, %add3A : i32
    %multiple_of3A = tpu.assume_multiple %add3A_5, 8 : i32
    %dma_start3A = arith.constant 0 : i32
    %dma_start3A_6 = tpu.memref_slice %arg2[%multiple_of3A, %dma_start3A] : memref<800000x128xf32, #tpu.memory_space<hbm>> -> memref<112x72xf32, #tpu.memory_space<hbm>>
    %dma_start3A_7 = arith.constant 0 : i32
    %dma_start3A_8 = tpu.memref_slice %arg2[%multiple_of3A, %dma_start3A_7] : memref<800000x128xf32, #tpu.memory_space<hbm>> -> memref<112x72xf32, #tpu.memory_space<hbm>>
    tpu.enqueue_dma source(%dma_start3A_8 : memref<112x72xf32, #tpu.memory_space<hbm>>) target(%arg7 : memref<112x72xf32, #tpu.memory_space<vmem>>) target_semaphore(%arg14 : memref<!tpu.dma_semaphore, #tpu.memory_space<semaphore_mem>>)
    %dma_start3A_9 = tpu.memref_slice %arg3[%multiple_of3A] : memref<800000xi32, #tpu.memory_space<hbm>> -> memref<112xi32, #tpu.memory_space<hbm>>
    %dma_start3A_10 = tpu.memref_slice %arg3[%multiple_of3A] : memref<800000xi32, #tpu.memory_space<hbm>> -> memref<112xi32, #tpu.memory_space<hbm>>
    tpu.enqueue_dma source(%dma_start3A_10 : memref<112xi32, #tpu.memory_space<hbm>>) target(%arg9 : memref<112xi32, #tpu.memory_space<vmem>>) target_semaphore(%arg14 : memref<!tpu.dma_semaphore, #tpu.memory_space<semaphore_mem>>)
    %scan3A = arith.constant 0 : i32
    %scan3A_11 = arith.constant 0 : i32
    %scan3A_12 = arith.constant 222 : i32
    %scan3A_13 = arith.addi %scan3A_11, %scan3A_12 : i32
    %scan3A_14 = arith.constant 1 : i32
    scf.for %scan3A_438 = %scan3A_11 to %scan3A_13 step %scan3A_14  : i32 {
      %mul3A_439 = arith.constant 2 : i32
      %mul3A_440 = arith.muli %scan3A_438, %mul3A_439 : i32
      %add3A_441 = arith.constant 1 : i32
      %add3A_442 = arith.addi %mul3A_440, %add3A_441 : i32
      %mul3A_443 = arith.constant 112 : i32
      %mul3A_444 = arith.muli %add3A_442, %mul3A_443 : i32
      %add3A_445 = arith.addi %mul3A_4, %mul3A_444 : i32
      %multiple_of3A_446 = tpu.assume_multiple %add3A_445, 8 : i32
      %dma_start3A_447 = arith.constant 0 : i32
      %dma_start3A_448 = tpu.memref_slice %arg2[%multiple_of3A_446, %dma_start3A_447] : memref<800000x128xf32, #tpu.memory_space<hbm>> -> memref<112x72xf32, #tpu.memory_space<hbm>>
      %dma_start3A_449 = arith.constant 0 : i32
      %dma_start3A_450 = tpu.memref_slice %arg2[%multiple_of3A_446, %dma_start3A_449] : memref<800000x128xf32, #tpu.memory_space<hbm>> -> memref<112x72xf32, #tpu.memory_space<hbm>>
      tpu.enqueue_dma source(%dma_start3A_450 : memref<112x72xf32, #tpu.memory_space<hbm>>) target(%arg8 : memref<112x72xf32, #tpu.memory_space<vmem>>) target_semaphore(%arg15 : memref<!tpu.dma_semaphore, #tpu.memory_space<semaphore_mem>>)
      %dma_start3A_451 = tpu.memref_slice %arg3[%multiple_of3A_446] : memref<800000xi32, #tpu.memory_space<hbm>> -> memref<112xi32, #tpu.memory_space<hbm>>
      %dma_start3A_452 = tpu.memref_slice %arg3[%multiple_of3A_446] : memref<800000xi32, #tpu.memory_space<hbm>> -> memref<112xi32, #tpu.memory_space<hbm>>
      tpu.enqueue_dma source(%dma_start3A_452 : memref<112xi32, #tpu.memory_space<hbm>>) target(%arg10 : memref<112xi32, #tpu.memory_space<vmem>>) target_semaphore(%arg15 : memref<!tpu.dma_semaphore, #tpu.memory_space<semaphore_mem>>)
      %dma_wait3A_453 = arith.constant 0 : i32
      %dma_wait3A_454 = arith.constant 0 : i32
      %dma_wait3A_455 = tpu.memref_slice %arg2[%dma_wait3A_453, %dma_wait3A_454] : memref<800000x128xf32, #tpu.memory_space<hbm>> -> memref<112x72xf32, #tpu.memory_space<hbm>>
      %dma_wait3A_456 = arith.constant 0 : i32
      %dma_wait3A_457 = arith.constant 0 : i32
      %dma_wait3A_458 = tpu.memref_slice %arg2[%dma_wait3A_456, %dma_wait3A_457] : memref<800000x128xf32, #tpu.memory_space<hbm>> -> memref<112x72xf32, #tpu.memory_space<hbm>>
      tpu.wait_dma2 semaphore(%arg14 : memref<!tpu.dma_semaphore, #tpu.memory_space<semaphore_mem>>) src(%dma_wait3A_458 : memref<112x72xf32, #tpu.memory_space<hbm>>) dst(%arg7 : memref<112x72xf32, #tpu.memory_space<vmem>>)
      %dma_wait3A_459 = arith.constant 0 : i32
      %dma_wait3A_460 = tpu.memref_slice %arg3[%dma_wait3A_459] : memref<800000xi32, #tpu.memory_space<hbm>> -> memref<112xi32, #tpu.memory_space<hbm>>
      %dma_wait3A_461 = arith.constant 0 : i32
      %dma_wait3A_462 = tpu.memref_slice %arg3[%dma_wait3A_461] : memref<800000xi32, #tpu.memory_space<hbm>> -> memref<112xi32, #tpu.memory_space<hbm>>
      tpu.wait_dma2 semaphore(%arg14 : memref<!tpu.dma_semaphore, #tpu.memory_space<semaphore_mem>>) src(%dma_wait3A_462 : memref<112xi32, #tpu.memory_space<hbm>>) dst(%arg9 : memref<112xi32, #tpu.memory_space<vmem>>)
      %get3A_463 = arith.constant 0 : index
      %get3A_464 = tpu.vector_load %arg9[%get3A_463] {strides = array<i32>} : memref<112xi32, #tpu.memory_space<vmem>>, vector<16xi32>,
      %get3A_465 = vector.shape_cast %get3A_464 : vector<16xi32> to vector<16xi32>
      %sub3A_466 = vector.broadcast %mul3A_2 : i32 to vector<16xi32>
      %sub3A_467 = arith.subi %get3A_465, %sub3A_466 : vector<16xi32>
      %lt3A_468 = arith.constant 0 : i32
      %lt3A_469 = vector.broadcast %lt3A_468 : i32 to vector<16xi32>
      %lt3A_470 = arith.cmpi slt, %sub3A_467, %lt3A_469 : vector<16xi32>
      %ge3A_471 = arith.constant 25000 : i32
      %ge3A_472 = vector.broadcast %ge3A_471 : i32 to vector<16xi32>
      %ge3A_473 = arith.cmpi sge, %sub3A_467, %ge3A_472 : vector<16xi32>
      %or3A_474 = arith.ori %lt3A_470, %ge3A_473 : vector<16xi1>
      %and3A_475 = arith.constant 63 : i32
      %and3A_476 = vector.broadcast %and3A_475 : i32 to vector<16xi32>
      %and3A_477 = arith.andi %get3A_465, %and3A_476 : vector<16xi32>
      %add3A_478 = arith.constant 25000 : i32
      %add3A_479 = vector.broadcast %add3A_478 : i32 to vector<16xi32>
      %add3A_480 = arith.addi %add3A_479, %and3A_477 : vector<16xi32>
      %select_n3A_481 = arith.select %or3A_474, %add3A_480, %sub3A_467 : vector<16xi1>, vector<16xi32>
      %swap3A_482 = arith.constant 0 : index
      %swap3A_483 = tpu.vector_load %arg11[%swap3A_482] {strides = array<i32>} : memref<112xi32, #tpu.memory_space<vmem>>, vector<16xi32>,
      %swap3A_484 = vector.shape_cast %swap3A_483 : vector<16xi32> to vector<16xi32>
      %swap3A_485 = vector.shape_cast %select_n3A_481 : vector<16xi32> to vector<16xi32>
      tpu.vector_store %arg11[%swap3A_482], %swap3A_485 {strides = array<i32>} : memref<112xi32, #tpu.memory_space<vmem>>, vector<16xi32>,
      %get3A_486 = arith.constant 16 : index
      %get3A_487 = tpu.vector_load %arg9[%get3A_486] {strides = array<i32>} : memref<112xi32, #tpu.memory_space<vmem>>, vector<16xi32>,
      %get3A_488 = vector.shape_cast %get3A_487 : vector<16xi32> to vector<16xi32>
      %sub3A_489 = vector.broadcast %mul3A_2 : i32 to vector<16xi32>
      %sub3A_490 = arith.subi %get3A_488, %sub3A_489 : vector<16xi32>
      %lt3A_491 = arith.constant 0 : i32
      %lt3A_492 = vector.broadcast %lt3A_491 : i32 to vector<16xi32>
      %lt3A_493 = arith.cmpi slt, %sub3A_490, %lt3A_492 : vector<16xi32>
      %ge3A_494 = arith.constant 25000 : i32
      %ge3A_495 = vector.broadcast %ge3A_494 : i32 to vector<16xi32>
      %ge3A_496 = arith.cmpi sge, %sub3A_490, %ge3A_495 : vector<16xi32>
      %or3A_497 = arith.ori %lt3A_493, %ge3A_496 : vector<16xi1>
      %and3A_498 = arith.constant 63 : i32
      %and3A_499 = vector.broadcast %and3A_498 : i32 to vector<16xi32>
      %and3A_500 = arith.andi %get3A_488, %and3A_499 : vector<16xi32>
      %add3A_501 = arith.constant 25000 : i32
      %add3A_502 = vector.broadcast %add3A_501 : i32 to vector<16xi32>
      %add3A_503 = arith.addi %add3A_502, %and3A_500 : vector<16xi32>
      %select_n3A_504 = arith.select %or3A_497, %add3A_503, %sub3A_490 : vector<16xi1>, vector<16xi32>
      %swap3A_505 = arith.constant 16 : index
      %swap3A_506 = tpu.vector_load %arg11[%swap3A_505] {strides = array<i32>} : memref<112xi32, #tpu.memory_space<vmem>>, vector<16xi32>,
      %swap3A_507 = vector.shape_cast %swap3A_506 : vector<16xi32> to vector<16xi32>
      %swap3A_508 = vector.shape_cast %select_n3A_504 : vector<16xi32> to vector<16xi32>
      tpu.vector_store %arg11[%swap3A_505], %swap3A_508 {strides = array<i32>} : memref<112xi32, #tpu.memory_space<vmem>>, vector<16xi32>,
      %get3A_509 = arith.constant 32 : index
      %get3A_510 = tpu.vector_load %arg9[%get3A_509] {strides = array<i32>} : memref<112xi32, #tpu.memory_space<vmem>>, vector<16xi32>,
      %get3A_511 = vector.shape_cast %get3A_510 : vector<16xi32> to vector<16xi32>
      %sub3A_512 = vector.broadcast %mul3A_2 : i32 to vector<16xi32>
      %sub3A_513 = arith.subi %get3A_511, %sub3A_512 : vector<16xi32>
      %lt3A_514 = arith.constant 0 : i32
      %lt3A_515 = vector.broadcast %lt3A_514 : i32 to vector<16xi32>
      %lt3A_516 = arith.cmpi slt, %sub3A_513, %lt3A_515 : vector<16xi32>
      %ge3A_517 = arith.constant 25000 : i32
      %ge3A_518 = vector.broadcast %ge3A_517 : i32 to vector<16xi32>
      %ge3A_519 = arith.cmpi sge, %sub3A_513, %ge3A_518 : vector<16xi32>
      %or3A_520 = arith.ori %lt3A_516, %ge3A_519 : vector<16xi1>
      %and3A_521 = arith.constant 63 : i32
      %and3A_522 = vector.broadcast %and3A_521 : i32 to vector<16xi32>
      %and3A_523 = arith.andi %get3A_511, %and3A_522 : vector<16xi32>
      %add3A_524 = arith.constant 25000 : i32
      %add3A_525 = vector.broadcast %add3A_524 : i32 to vector<16xi32>
      %add3A_526 = arith.addi %add3A_525, %and3A_523 : vector<16xi32>
      %select_n3A_527 = arith.select %or3A_520, %add3A_526, %sub3A_513 : vector<16xi1>, vector<16xi32>
      %swap3A_528 = arith.constant 32 : index
      %swap3A_529 = tpu.vector_load %arg11[%swap3A_528] {strides = array<i32>} : memref<112xi32, #tpu.memory_space<vmem>>, vector<16xi32>,
      %swap3A_530 = vector.shape_cast %swap3A_529 : vector<16xi32> to vector<16xi32>
      %swap3A_531 = vector.shape_cast %select_n3A_527 : vector<16xi32> to vector<16xi32>
      tpu.vector_store %arg11[%swap3A_528], %swap3A_531 {strides = array<i32>} : memref<112xi32, #tpu.memory_space<vmem>>, vector<16xi32>,
      %get3A_532 = arith.constant 48 : index
      %get3A_533 = tpu.vector_load %arg9[%get3A_532] {strides = array<i32>} : memref<112xi32, #tpu.memory_space<vmem>>, vector<16xi32>,
      %get3A_534 = vector.shape_cast %get3A_533 : vector<16xi32> to vector<16xi32>
      %sub3A_535 = vector.broadcast %mul3A_2 : i32 to vector<16xi32>
      %sub3A_536 = arith.subi %get3A_534, %sub3A_535 : vector<16xi32>
      %lt3A_537 = arith.constant 0 : i32
      %lt3A_538 = vector.broadcast %lt3A_537 : i32 to vector<16xi32>
      %lt3A_539 = arith.cmpi slt, %sub3A_536, %lt3A_538 : vector<16xi32>
      %ge3A_540 = arith.constant 25000 : i32
      %ge3A_541 = vector.broadcast %ge3A_540 : i32 to vector<16xi32>
      %ge3A_542 = arith.cmpi sge, %sub3A_536, %ge3A_541 : vector<16xi32>
      %or3A_543 = arith.ori %lt3A_539, %ge3A_542 : vector<16xi1>
      %and3A_544 = arith.constant 63 : i32
      %and3A_545 = vector.broadcast %and3A_544 : i32 to vector<16xi32>
      %and3A_546 = arith.andi %get3A_534, %and3A_545 : vector<16xi32>
      %add3A_547 = arith.constant 25000 : i32
      %add3A_548 = vector.broadcast %add3A_547 : i32 to vector<16xi32>
      %add3A_549 = arith.addi %add3A_548, %and3A_546 : vector<16xi32>
      %select_n3A_550 = arith.select %or3A_543, %add3A_549, %sub3A_536 : vector<16xi1>, vector<16xi32>
      %swap3A_551 = arith.constant 48 : index
      %swap3A_552 = tpu.vector_load %arg11[%swap3A_551] {strides = array<i32>} : memref<112xi32, #tpu.memory_space<vmem>>, vector<16xi32>,
      %swap3A_553 = vector.shape_cast %swap3A_552 : vector<16xi32> to vector<16xi32>
      %swap3A_554 = vector.shape_cast %select_n3A_550 : vector<16xi32> to vector<16xi32>
      tpu.vector_store %arg11[%swap3A_551], %swap3A_554 {strides = array<i32>} : memref<112xi32, #tpu.memory_space<vmem>>, vector<16xi32>,
      %get3A_555 = arith.constant 64 : index
      %get3A_556 = tpu.vector_load %arg9[%get3A_555] {strides = array<i32>} : memref<112xi32, #tpu.memory_space<vmem>>, vector<16xi32>,
      %get3A_557 = vector.shape_cast %get3A_556 : vector<16xi32> to vector<16xi32>
      %sub3A_558 = vector.broadcast %mul3A_2 : i32 to vector<16xi32>
      %sub3A_559 = arith.subi %get3A_557, %sub3A_558 : vector<16xi32>
      %lt3A_560 = arith.constant 0 : i32
      %lt3A_561 = vector.broadcast %lt3A_560 : i32 to vector<16xi32>
      %lt3A_562 = arith.cmpi slt, %sub3A_559, %lt3A_561 : vector<16xi32>
      %ge3A_563 = arith.constant 25000 : i32
      %ge3A_564 = vector.broadcast %ge3A_563 : i32 to vector<16xi32>
      %ge3A_565 = arith.cmpi sge, %sub3A_559, %ge3A_564 : vector<16xi32>
      %or3A_566 = arith.ori %lt3A_562, %ge3A_565 : vector<16xi1>
      %and3A_567 = arith.constant 63 : i32
      %and3A_568 = vector.broadcast %and3A_567 : i32 to vector<16xi32>
      %and3A_569 = arith.andi %get3A_557, %and3A_568 : vector<16xi32>
      %add3A_570 = arith.constant 25000 : i32
      %add3A_571 = vector.broadcast %add3A_570 : i32 to vector<16xi32>
      %add3A_572 = arith.addi %add3A_571, %and3A_569 : vector<16xi32>
      %select_n3A_573 = arith.select %or3A_566, %add3A_572, %sub3A_559 : vector<16xi1>, vector<16xi32>
      %swap3A_574 = arith.constant 64 : index
      %swap3A_575 = tpu.vector_load %arg11[%swap3A_574] {strides = array<i32>} : memref<112xi32, #tpu.memory_space<vmem>>, vector<16xi32>,
      %swap3A_576 = vector.shape_cast %swap3A_575 : vector<16xi32> to vector<16xi32>
      %swap3A_577 = vector.shape_cast %select_n3A_573 : vector<16xi32> to vector<16xi32>
      tpu.vector_store %arg11[%swap3A_574], %swap3A_577 {strides = array<i32>} : memref<112xi32, #tpu.memory_space<vmem>>, vector<16xi32>,
      %get3A_578 = arith.constant 80 : index
      %get3A_579 = tpu.vector_load %arg9[%get3A_578] {strides = array<i32>} : memref<112xi32, #tpu.memory_space<vmem>>, vector<16xi32>,
      %get3A_580 = vector.shape_cast %get3A_579 : vector<16xi32> to vector<16xi32>
      %sub3A_581 = vector.broadcast %mul3A_2 : i32 to vector<16xi32>
      %sub3A_582 = arith.subi %get3A_580, %sub3A_581 : vector<16xi32>
      %lt3A_583 = arith.constant 0 : i32
      %lt3A_584 = vector.broadcast %lt3A_583 : i32 to vector<16xi32>
      %lt3A_585 = arith.cmpi slt, %sub3A_582, %lt3A_584 : vector<16xi32>
      %ge3A_586 = arith.constant 25000 : i32
      %ge3A_587 = vector.broadcast %ge3A_586 : i32 to vector<16xi32>
      %ge3A_588 = arith.cmpi sge, %sub3A_582, %ge3A_587 : vector<16xi32>
      %or3A_589 = arith.ori %lt3A_585, %ge3A_588 : vector<16xi1>
      %and3A_590 = arith.constant 63 : i32
      %and3A_591 = vector.broadcast %and3A_590 : i32 to vector<16xi32>
      %and3A_592 = arith.andi %get3A_580, %and3A_591 : vector<16xi32>
      %add3A_593 = arith.constant 25000 : i32
      %add3A_594 = vector.broadcast %add3A_593 : i32 to vector<16xi32>
      %add3A_595 = arith.addi %add3A_594, %and3A_592 : vector<16xi32>
      %select_n3A_596 = arith.select %or3A_589, %add3A_595, %sub3A_582 : vector<16xi1>, vector<16xi32>
      %swap3A_597 = arith.constant 80 : index
      %swap3A_598 = tpu.vector_load %arg11[%swap3A_597] {strides = array<i32>} : memref<112xi32, #tpu.memory_space<vmem>>, vector<16xi32>,
      %swap3A_599 = vector.shape_cast %swap3A_598 : vector<16xi32> to vector<16xi32>
      %swap3A_600 = vector.shape_cast %select_n3A_596 : vector<16xi32> to vector<16xi32>
      tpu.vector_store %arg11[%swap3A_597], %swap3A_600 {strides = array<i32>} : memref<112xi32, #tpu.memory_space<vmem>>, vector<16xi32>,
      %get3A_601 = arith.constant 96 : index
      %get3A_602 = tpu.vector_load %arg9[%get3A_601] {strides = array<i32>} : memref<112xi32, #tpu.memory_space<vmem>>, vector<16xi32>,
      %get3A_603 = vector.shape_cast %get3A_602 : vector<16xi32> to vector<16xi32>
      %sub3A_604 = vector.broadcast %mul3A_2 : i32 to vector<16xi32>
      %sub3A_605 = arith.subi %get3A_603, %sub3A_604 : vector<16xi32>
      %lt3A_606 = arith.constant 0 : i32
      %lt3A_607 = vector.broadcast %lt3A_606 : i32 to vector<16xi32>
      %lt3A_608 = arith.cmpi slt, %sub3A_605, %lt3A_607 : vector<16xi32>
      %ge3A_609 = arith.constant 25000 : i32
      %ge3A_610 = vector.broadcast %ge3A_609 : i32 to vector<16xi32>
      %ge3A_611 = arith.cmpi sge, %sub3A_605, %ge3A_610 : vector<16xi32>
      %or3A_612 = arith.ori %lt3A_608, %ge3A_611 : vector<16xi1>
      %and3A_613 = arith.constant 63 : i32
      %and3A_614 = vector.broadcast %and3A_613 : i32 to vector<16xi32>
      %and3A_615 = arith.andi %get3A_603, %and3A_614 : vector<16xi32>
      %add3A_616 = arith.constant 25000 : i32
      %add3A_617 = vector.broadcast %add3A_616 : i32 to vector<16xi32>
      %add3A_618 = arith.addi %add3A_617, %and3A_615 : vector<16xi32>
      %select_n3A_619 = arith.select %or3A_612, %add3A_618, %sub3A_605 : vector<16xi1>, vector<16xi32>
      %swap3A_620 = arith.constant 96 : index
      %swap3A_621 = tpu.vector_load %arg11[%swap3A_620] {strides = array<i32>} : memref<112xi32, #tpu.memory_space<vmem>>, vector<16xi32>,
      %swap3A_622 = vector.shape_cast %swap3A_621 : vector<16xi32> to vector<16xi32>
      %swap3A_623 = vector.shape_cast %select_n3A_619 : vector<16xi32> to vector<16xi32>
      tpu.vector_store %arg11[%swap3A_620], %swap3A_623 {strides = array<i32>} : memref<112xi32, #tpu.memory_space<vmem>>, vector<16xi32>,
      "tpu.region"() ({
        %run_scoped3A = tpu.sem_alloc : memref<!tpu.dma_semaphore, #tpu.memory_space<semaphore_mem>>
        %dma_start3A_807 = arith.constant 0 : i32
        %dma_start3A_808 = arith.constant 0 : i32
        %dma_start3A_809 = tpu.memref_slice %arg6[%dma_start3A_807, %dma_start3A_808] : memref<25088x72xf32, #tpu.memory_space<vmem_shared>> -> memref<25088x72xf32, #tpu.memory_space<vmem_shared>>
        tpu.enqueue_indirect_dma source(%arg7 : memref<112x72xf32, #tpu.memory_space<vmem>>) target(%dma_start3A_809 : memref<25088x72xf32, #tpu.memory_space<vmem_shared>>) offsets(%arg11 : memref<112xi32, #tpu.memory_space<vmem>>) semaphore(%run_scoped3A : memref<!tpu.dma_semaphore, #tpu.memory_space<semaphore_mem>>) {add = true}
        %dma_wait3A_810 = arith.constant 0 : i32
        %dma_wait3A_811 = arith.constant 0 : i32
        %dma_wait3A_812 = tpu.memref_slice %arg6[%dma_wait3A_810, %dma_wait3A_811] : memref<25088x72xf32, #tpu.memory_space<vmem_shared>> -> memref<25088x72xf32, #tpu.memory_space<vmem_shared>>
        tpu.wait_indirect_dma semaphore(%run_scoped3A : memref<!tpu.dma_semaphore, #tpu.memory_space<semaphore_mem>>) src(%arg7 : memref<112x72xf32, #tpu.memory_space<vmem>>) dst(%dma_wait3A_812 : memref<25088x72xf32, #tpu.memory_space<vmem_shared>>)
        tpu.yield
      }) : () -> ()
      %add3A_624 = arith.constant 2 : i32
      %add3A_625 = arith.addi %mul3A_440, %add3A_624 : i32
      %mul3A_626 = arith.constant 112 : i32
      %mul3A_627 = arith.muli %add3A_625, %mul3A_626 : i32
      %add3A_628 = arith.addi %mul3A_4, %mul3A_627 : i32
      %multiple_of3A_629 = tpu.assume_multiple %add3A_628, 8 : i32
      %dma_start3A_630 = arith.constant 0 : i32
      %dma_start3A_631 = tpu.memref_slice %arg2[%multiple_of3A_629, %dma_start3A_630] : memref<800000x128xf32, #tpu.memory_space<hbm>> -> memref<112x72xf32, #tpu.memory_space<hbm>>
      %dma_start3A_632 = arith.constant 0 : i32
      %dma_start3A_633 = tpu.memref_slice %arg2[%multiple_of3A_629, %dma_start3A_632] : memref<800000x128xf32, #tpu.memory_space<hbm>> -> memref<112x72xf32, #tpu.memory_space<hbm>>
      tpu.enqueue_dma source(%dma_start3A_633 : memref<112x72xf32, #tpu.memory_space<hbm>>) target(%arg7 : memref<112x72xf32, #tpu.memory_space<vmem>>) target_semaphore(%arg14 : memref<!tpu.dma_semaphore, #tpu.memory_space<semaphore_mem>>)
      %dma_start3A_634 = tpu.memref_slice %arg3[%multiple_of3A_629] : memref<800000xi32, #tpu.memory_space<hbm>> -> memref<112xi32, #tpu.memory_space<hbm>>
      %dma_start3A_635 = tpu.memref_slice %arg3[%multiple_of3A_629] : memref<800000xi32, #tpu.memory_space<hbm>> -> memref<112xi32, #tpu.memory_space<hbm>>
      tpu.enqueue_dma source(%dma_start3A_635 : memref<112xi32, #tpu.memory_space<hbm>>) target(%arg9 : memref<112xi32, #tpu.memory_space<vmem>>) target_semaphore(%arg14 : memref<!tpu.dma_semaphore, #tpu.memory_space<semaphore_mem>>)
      %dma_wait3A_636 = arith.constant 0 : i32
      %dma_wait3A_637 = arith.constant 0 : i32
      %dma_wait3A_638 = tpu.memref_slice %arg2[%dma_wait3A_636, %dma_wait3A_637] : memref<800000x128xf32, #tpu.memory_space<hbm>> -> memref<112x72xf32, #tpu.memory_space<hbm>>
      %dma_wait3A_639 = arith.constant 0 : i32
      %dma_wait3A_640 = arith.constant 0 : i32
      %dma_wait3A_641 = tpu.memref_slice %arg2[%dma_wait3A_639, %dma_wait3A_640] : memref<800000x128xf32, #tpu.memory_space<hbm>> -> memref<112x72xf32, #tpu.memory_space<hbm>>
      tpu.wait_dma2 semaphore(%arg15 : memref<!tpu.dma_semaphore, #tpu.memory_space<semaphore_mem>>) src(%dma_wait3A_641 : memref<112x72xf32, #tpu.memory_space<hbm>>) dst(%arg8 : memref<112x72xf32, #tpu.memory_space<vmem>>)
      %dma_wait3A_642 = arith.constant 0 : i32
      %dma_wait3A_643 = tpu.memref_slice %arg3[%dma_wait3A_642] : memref<800000xi32, #tpu.memory_space<hbm>> -> memref<112xi32, #tpu.memory_space<hbm>>
      %dma_wait3A_644 = arith.constant 0 : i32
      %dma_wait3A_645 = tpu.memref_slice %arg3[%dma_wait3A_644] : memref<800000xi32, #tpu.memory_space<hbm>> -> memref<112xi32, #tpu.memory_space<hbm>>
      tpu.wait_dma2 semaphore(%arg15 : memref<!tpu.dma_semaphore, #tpu.memory_space<semaphore_mem>>) src(%dma_wait3A_645 : memref<112xi32, #tpu.memory_space<hbm>>) dst(%arg10 : memref<112xi32, #tpu.memory_space<vmem>>)
      %get3A_646 = arith.constant 0 : index
      %get3A_647 = tpu.vector_load %arg10[%get3A_646] {strides = array<i32>} : memref<112xi32, #tpu.memory_space<vmem>>, vector<16xi32>,
      %get3A_648 = vector.shape_cast %get3A_647 : vector<16xi32> to vector<16xi32>
      %sub3A_649 = vector.broadcast %mul3A_2 : i32 to vector<16xi32>
      %sub3A_650 = arith.subi %get3A_648, %sub3A_649 : vector<16xi32>
      %lt3A_651 = arith.constant 0 : i32
      %lt3A_652 = vector.broadcast %lt3A_651 : i32 to vector<16xi32>
      %lt3A_653 = arith.cmpi slt, %sub3A_650, %lt3A_652 : vector<16xi32>
      %ge3A_654 = arith.constant 25000 : i32
      %ge3A_655 = vector.broadcast %ge3A_654 : i32 to vector<16xi32>
      %ge3A_656 = arith.cmpi sge, %sub3A_650, %ge3A_655 : vector<16xi32>
      %or3A_657 = arith.ori %lt3A_653, %ge3A_656 : vector<16xi1>
      %and3A_658 = arith.constant 63 : i32
      %and3A_659 = vector.broadcast %and3A_658 : i32 to vector<16xi32>
      %and3A_660 = arith.andi %get3A_648, %and3A_659 : vector<16xi32>
      %add3A_661 = arith.constant 25000 : i32
      %add3A_662 = vector.broadcast %add3A_661 : i32 to vector<16xi32>
      %add3A_663 = arith.addi %add3A_662, %and3A_660 : vector<16xi32>
      %select_n3A_664 = arith.select %or3A_657, %add3A_663, %sub3A_650 : vector<16xi1>, vector<16xi32>
      %swap3A_665 = arith.constant 0 : index
      %swap3A_666 = tpu.vector_load %arg12[%swap3A_665] {strides = array<i32>} : memref<112xi32, #tpu.memory_space<vmem>>, vector<16xi32>,
      %swap3A_667 = vector.shape_cast %swap3A_666 : vector<16xi32> to vector<16xi32>
      %swap3A_668 = vector.shape_cast %select_n3A_664 : vector<16xi32> to vector<16xi32>
      tpu.vector_store %arg12[%swap3A_665], %swap3A_668 {strides = array<i32>} : memref<112xi32, #tpu.memory_space<vmem>>, vector<16xi32>,
      %get3A_669 = arith.constant 16 : index
      %get3A_670 = tpu.vector_load %arg10[%get3A_669] {strides = array<i32>} : memref<112xi32, #tpu.memory_space<vmem>>, vector<16xi32>,
      %get3A_671 = vector.shape_cast %get3A_670 : vector<16xi32> to vector<16xi32>
      %sub3A_672 = vector.broadcast %mul3A_2 : i32 to vector<16xi32>
      %sub3A_673 = arith.subi %get3A_671, %sub3A_672 : vector<16xi32>
      %lt3A_674 = arith.constant 0 : i32
      %lt3A_675 = vector.broadcast %lt3A_674 : i32 to vector<16xi32>
      %lt3A_676 = arith.cmpi slt, %sub3A_673, %lt3A_675 : vector<16xi32>
      %ge3A_677 = arith.constant 25000 : i32
      %ge3A_678 = vector.broadcast %ge3A_677 : i32 to vector<16xi32>
      %ge3A_679 = arith.cmpi sge, %sub3A_673, %ge3A_678 : vector<16xi32>
      %or3A_680 = arith.ori %lt3A_676, %ge3A_679 : vector<16xi1>
      %and3A_681 = arith.constant 63 : i32
      %and3A_682 = vector.broadcast %and3A_681 : i32 to vector<16xi32>
      %and3A_683 = arith.andi %get3A_671, %and3A_682 : vector<16xi32>
      %add3A_684 = arith.constant 25000 : i32
      %add3A_685 = vector.broadcast %add3A_684 : i32 to vector<16xi32>
      %add3A_686 = arith.addi %add3A_685, %and3A_683 : vector<16xi32>
      %select_n3A_687 = arith.select %or3A_680, %add3A_686, %sub3A_673 : vector<16xi1>, vector<16xi32>
      %swap3A_688 = arith.constant 16 : index
      %swap3A_689 = tpu.vector_load %arg12[%swap3A_688] {strides = array<i32>} : memref<112xi32, #tpu.memory_space<vmem>>, vector<16xi32>,
      %swap3A_690 = vector.shape_cast %swap3A_689 : vector<16xi32> to vector<16xi32>
      %swap3A_691 = vector.shape_cast %select_n3A_687 : vector<16xi32> to vector<16xi32>
      tpu.vector_store %arg12[%swap3A_688], %swap3A_691 {strides = array<i32>} : memref<112xi32, #tpu.memory_space<vmem>>, vector<16xi32>,
      %get3A_692 = arith.constant 32 : index
      %get3A_693 = tpu.vector_load %arg10[%get3A_692] {strides = array<i32>} : memref<112xi32, #tpu.memory_space<vmem>>, vector<16xi32>,
      %get3A_694 = vector.shape_cast %get3A_693 : vector<16xi32> to vector<16xi32>
      %sub3A_695 = vector.broadcast %mul3A_2 : i32 to vector<16xi32>
      %sub3A_696 = arith.subi %get3A_694, %sub3A_695 : vector<16xi32>
      %lt3A_697 = arith.constant 0 : i32
      %lt3A_698 = vector.broadcast %lt3A_697 : i32 to vector<16xi32>
      %lt3A_699 = arith.cmpi slt, %sub3A_696, %lt3A_698 : vector<16xi32>
      %ge3A_700 = arith.constant 25000 : i32
      %ge3A_701 = vector.broadcast %ge3A_700 : i32 to vector<16xi32>
      %ge3A_702 = arith.cmpi sge, %sub3A_696, %ge3A_701 : vector<16xi32>
      %or3A_703 = arith.ori %lt3A_699, %ge3A_702 : vector<16xi1>
      %and3A_704 = arith.constant 63 : i32
      %and3A_705 = vector.broadcast %and3A_704 : i32 to vector<16xi32>
      %and3A_706 = arith.andi %get3A_694, %and3A_705 : vector<16xi32>
      %add3A_707 = arith.constant 25000 : i32
      %add3A_708 = vector.broadcast %add3A_707 : i32 to vector<16xi32>
      %add3A_709 = arith.addi %add3A_708, %and3A_706 : vector<16xi32>
      %select_n3A_710 = arith.select %or3A_703, %add3A_709, %sub3A_696 : vector<16xi1>, vector<16xi32>
      %swap3A_711 = arith.constant 32 : index
      %swap3A_712 = tpu.vector_load %arg12[%swap3A_711] {strides = array<i32>} : memref<112xi32, #tpu.memory_space<vmem>>, vector<16xi32>,
      %swap3A_713 = vector.shape_cast %swap3A_712 : vector<16xi32> to vector<16xi32>
      %swap3A_714 = vector.shape_cast %select_n3A_710 : vector<16xi32> to vector<16xi32>
      tpu.vector_store %arg12[%swap3A_711], %swap3A_714 {strides = array<i32>} : memref<112xi32, #tpu.memory_space<vmem>>, vector<16xi32>,
      %get3A_715 = arith.constant 48 : index
      %get3A_716 = tpu.vector_load %arg10[%get3A_715] {strides = array<i32>} : memref<112xi32, #tpu.memory_space<vmem>>, vector<16xi32>,
      %get3A_717 = vector.shape_cast %get3A_716 : vector<16xi32> to vector<16xi32>
      %sub3A_718 = vector.broadcast %mul3A_2 : i32 to vector<16xi32>
      %sub3A_719 = arith.subi %get3A_717, %sub3A_718 : vector<16xi32>
      %lt3A_720 = arith.constant 0 : i32
      %lt3A_721 = vector.broadcast %lt3A_720 : i32 to vector<16xi32>
      %lt3A_722 = arith.cmpi slt, %sub3A_719, %lt3A_721 : vector<16xi32>
      %ge3A_723 = arith.constant 25000 : i32
      %ge3A_724 = vector.broadcast %ge3A_723 : i32 to vector<16xi32>
      %ge3A_725 = arith.cmpi sge, %sub3A_719, %ge3A_724 : vector<16xi32>
      %or3A_726 = arith.ori %lt3A_722, %ge3A_725 : vector<16xi1>
      %and3A_727 = arith.constant 63 : i32
      %and3A_728 = vector.broadcast %and3A_727 : i32 to vector<16xi32>
      %and3A_729 = arith.andi %get3A_717, %and3A_728 : vector<16xi32>
      %add3A_730 = arith.constant 25000 : i32
      %add3A_731 = vector.broadcast %add3A_730 : i32 to vector<16xi32>
      %add3A_732 = arith.addi %add3A_731, %and3A_729 : vector<16xi32>
      %select_n3A_733 = arith.select %or3A_726, %add3A_732, %sub3A_719 : vector<16xi1>, vector<16xi32>
      %swap3A_734 = arith.constant 48 : index
      %swap3A_735 = tpu.vector_load %arg12[%swap3A_734] {strides = array<i32>} : memref<112xi32, #tpu.memory_space<vmem>>, vector<16xi32>,
      %swap3A_736 = vector.shape_cast %swap3A_735 : vector<16xi32> to vector<16xi32>
      %swap3A_737 = vector.shape_cast %select_n3A_733 : vector<16xi32> to vector<16xi32>
      tpu.vector_store %arg12[%swap3A_734], %swap3A_737 {strides = array<i32>} : memref<112xi32, #tpu.memory_space<vmem>>, vector<16xi32>,
      %get3A_738 = arith.constant 64 : index
      %get3A_739 = tpu.vector_load %arg10[%get3A_738] {strides = array<i32>} : memref<112xi32, #tpu.memory_space<vmem>>, vector<16xi32>,
      %get3A_740 = vector.shape_cast %get3A_739 : vector<16xi32> to vector<16xi32>
      %sub3A_741 = vector.broadcast %mul3A_2 : i32 to vector<16xi32>
      %sub3A_742 = arith.subi %get3A_740, %sub3A_741 : vector<16xi32>
      %lt3A_743 = arith.constant 0 : i32
      %lt3A_744 = vector.broadcast %lt3A_743 : i32 to vector<16xi32>
      %lt3A_745 = arith.cmpi slt, %sub3A_742, %lt3A_744 : vector<16xi32>
      %ge3A_746 = arith.constant 25000 : i32
      %ge3A_747 = vector.broadcast %ge3A_746 : i32 to vector<16xi32>
      %ge3A_748 = arith.cmpi sge, %sub3A_742, %ge3A_747 : vector<16xi32>
      %or3A_749 = arith.ori %lt3A_745, %ge3A_748 : vector<16xi1>
      %and3A_750 = arith.constant 63 : i32
      %and3A_751 = vector.broadcast %and3A_750 : i32 to vector<16xi32>
      %and3A_752 = arith.andi %get3A_740, %and3A_751 : vector<16xi32>
      %add3A_753 = arith.constant 25000 : i32
      %add3A_754 = vector.broadcast %add3A_753 : i32 to vector<16xi32>
      %add3A_755 = arith.addi %add3A_754, %and3A_752 : vector<16xi32>
      %select_n3A_756 = arith.select %or3A_749, %add3A_755, %sub3A_742 : vector<16xi1>, vector<16xi32>
      %swap3A_757 = arith.constant 64 : index
      %swap3A_758 = tpu.vector_load %arg12[%swap3A_757] {strides = array<i32>} : memref<112xi32, #tpu.memory_space<vmem>>, vector<16xi32>,
      %swap3A_759 = vector.shape_cast %swap3A_758 : vector<16xi32> to vector<16xi32>
      %swap3A_760 = vector.shape_cast %select_n3A_756 : vector<16xi32> to vector<16xi32>
      tpu.vector_store %arg12[%swap3A_757], %swap3A_760 {strides = array<i32>} : memref<112xi32, #tpu.memory_space<vmem>>, vector<16xi32>,
      %get3A_761 = arith.constant 80 : index
      %get3A_762 = tpu.vector_load %arg10[%get3A_761] {strides = array<i32>} : memref<112xi32, #tpu.memory_space<vmem>>, vector<16xi32>,
      %get3A_763 = vector.shape_cast %get3A_762 : vector<16xi32> to vector<16xi32>
      %sub3A_764 = vector.broadcast %mul3A_2 : i32 to vector<16xi32>
      %sub3A_765 = arith.subi %get3A_763, %sub3A_764 : vector<16xi32>
      %lt3A_766 = arith.constant 0 : i32
      %lt3A_767 = vector.broadcast %lt3A_766 : i32 to vector<16xi32>
      %lt3A_768 = arith.cmpi slt, %sub3A_765, %lt3A_767 : vector<16xi32>
      %ge3A_769 = arith.constant 25000 : i32
      %ge3A_770 = vector.broadcast %ge3A_769 : i32 to vector<16xi32>
      %ge3A_771 = arith.cmpi sge, %sub3A_765, %ge3A_770 : vector<16xi32>
      %or3A_772 = arith.ori %lt3A_768, %ge3A_771 : vector<16xi1>
      %and3A_773 = arith.constant 63 : i32
      %and3A_774 = vector.broadcast %and3A_773 : i32 to vector<16xi32>
      %and3A_775 = arith.andi %get3A_763, %and3A_774 : vector<16xi32>
      %add3A_776 = arith.constant 25000 : i32
      %add3A_777 = vector.broadcast %add3A_776 : i32 to vector<16xi32>
      %add3A_778 = arith.addi %add3A_777, %and3A_775 : vector<16xi32>
      %select_n3A_779 = arith.select %or3A_772, %add3A_778, %sub3A_765 : vector<16xi1>, vector<16xi32>
      %swap3A_780 = arith.constant 80 : index
      %swap3A_781 = tpu.vector_load %arg12[%swap3A_780] {strides = array<i32>} : memref<112xi32, #tpu.memory_space<vmem>>, vector<16xi32>,
      %swap3A_782 = vector.shape_cast %swap3A_781 : vector<16xi32> to vector<16xi32>
      %swap3A_783 = vector.shape_cast %select_n3A_779 : vector<16xi32> to vector<16xi32>
      tpu.vector_store %arg12[%swap3A_780], %swap3A_783 {strides = array<i32>} : memref<112xi32, #tpu.memory_space<vmem>>, vector<16xi32>,
      %get3A_784 = arith.constant 96 : index
      %get3A_785 = tpu.vector_load %arg10[%get3A_784] {strides = array<i32>} : memref<112xi32, #tpu.memory_space<vmem>>, vector<16xi32>,
      %get3A_786 = vector.shape_cast %get3A_785 : vector<16xi32> to vector<16xi32>
      %sub3A_787 = vector.broadcast %mul3A_2 : i32 to vector<16xi32>
      %sub3A_788 = arith.subi %get3A_786, %sub3A_787 : vector<16xi32>
      %lt3A_789 = arith.constant 0 : i32
      %lt3A_790 = vector.broadcast %lt3A_789 : i32 to vector<16xi32>
      %lt3A_791 = arith.cmpi slt, %sub3A_788, %lt3A_790 : vector<16xi32>
      %ge3A_792 = arith.constant 25000 : i32
      %ge3A_793 = vector.broadcast %ge3A_792 : i32 to vector<16xi32>
      %ge3A_794 = arith.cmpi sge, %sub3A_788, %ge3A_793 : vector<16xi32>
      %or3A_795 = arith.ori %lt3A_791, %ge3A_794 : vector<16xi1>
      %and3A_796 = arith.constant 63 : i32
      %and3A_797 = vector.broadcast %and3A_796 : i32 to vector<16xi32>
      %and3A_798 = arith.andi %get3A_786, %and3A_797 : vector<16xi32>
      %add3A_799 = arith.constant 25000 : i32
      %add3A_800 = vector.broadcast %add3A_799 : i32 to vector<16xi32>
      %add3A_801 = arith.addi %add3A_800, %and3A_798 : vector<16xi32>
      %select_n3A_802 = arith.select %or3A_795, %add3A_801, %sub3A_788 : vector<16xi1>, vector<16xi32>
      %swap3A_803 = arith.constant 96 : index
      %swap3A_804 = tpu.vector_load %arg12[%swap3A_803] {strides = array<i32>} : memref<112xi32, #tpu.memory_space<vmem>>, vector<16xi32>,
      %swap3A_805 = vector.shape_cast %swap3A_804 : vector<16xi32> to vector<16xi32>
      %swap3A_806 = vector.shape_cast %select_n3A_802 : vector<16xi32> to vector<16xi32>
      tpu.vector_store %arg12[%swap3A_803], %swap3A_806 {strides = array<i32>} : memref<112xi32, #tpu.memory_space<vmem>>, vector<16xi32>,
      "tpu.region"() ({
        %run_scoped3A = tpu.sem_alloc : memref<!tpu.dma_semaphore, #tpu.memory_space<semaphore_mem>>
        %dma_start3A_807 = arith.constant 0 : i32
        %dma_start3A_808 = arith.constant 0 : i32
        %dma_start3A_809 = tpu.memref_slice %arg6[%dma_start3A_807, %dma_start3A_808] : memref<25088x72xf32, #tpu.memory_space<vmem_shared>> -> memref<25088x72xf32, #tpu.memory_space<vmem_shared>>
        tpu.enqueue_indirect_dma source(%arg8 : memref<112x72xf32, #tpu.memory_space<vmem>>) target(%dma_start3A_809 : memref<25088x72xf32, #tpu.memory_space<vmem_shared>>) offsets(%arg12 : memref<112xi32, #tpu.memory_space<vmem>>) semaphore(%run_scoped3A : memref<!tpu.dma_semaphore, #tpu.memory_space<semaphore_mem>>) {add = true}
        %dma_wait3A_810 = arith.constant 0 : i32
        %dma_wait3A_811 = arith.constant 0 : i32
        %dma_wait3A_812 = tpu.memref_slice %arg6[%dma_wait3A_810, %dma_wait3A_811] : memref<25088x72xf32, #tpu.memory_space<vmem_shared>> -> memref<25088x72xf32, #tpu.memory_space<vmem_shared>>
        tpu.wait_indirect_dma semaphore(%run_scoped3A : memref<!tpu.dma_semaphore, #tpu.memory_space<semaphore_mem>>) src(%arg8 : memref<112x72xf32, #tpu.memory_space<vmem>>) dst(%dma_wait3A_812 : memref<25088x72xf32, #tpu.memory_space<vmem_shared>>)
        tpu.yield
      }) : () -> ()
    }
    %scan3A_15 = arith.constant 222 : i32
    %add3A_16 = arith.constant 49840 : i32
    %add3A_17 = arith.addi %mul3A_4, %add3A_16 : i32
    %multiple_of3A_18 = tpu.assume_multiple %add3A_17, 8 : i32
    %dma_start3A_19 = arith.constant 0 : i32
    %dma_start3A_20 = tpu.memref_slice %arg2[%multiple_of3A_18, %dma_start3A_19] : memref<800000x128xf32, #tpu.memory_space<hbm>> -> memref<112x72xf32, #tpu.memory_space<hbm>>
    %dma_start3A_21 = arith.constant 0 : i32
    %dma_start3A_22 = tpu.memref_slice %arg2[%multiple_of3A_18, %dma_start3A_21] : memref<800000x128xf32, #tpu.memory_space<hbm>> -> memref<112x72xf32, #tpu.memory_space<hbm>>
    tpu.enqueue_dma source(%dma_start3A_22 : memref<112x72xf32, #tpu.memory_space<hbm>>) target(%arg8 : memref<112x72xf32, #tpu.memory_space<vmem>>) target_semaphore(%arg15 : memref<!tpu.dma_semaphore, #tpu.memory_space<semaphore_mem>>)
    %dma_start3A_23 = tpu.memref_slice %arg3[%multiple_of3A_18] : memref<800000xi32, #tpu.memory_space<hbm>> -> memref<112xi32, #tpu.memory_space<hbm>>
    %dma_start3A_24 = tpu.memref_slice %arg3[%multiple_of3A_18] : memref<800000xi32, #tpu.memory_space<hbm>> -> memref<112xi32, #tpu.memory_space<hbm>>
    tpu.enqueue_dma source(%dma_start3A_24 : memref<112xi32, #tpu.memory_space<hbm>>) target(%arg10 : memref<112xi32, #tpu.memory_space<vmem>>) target_semaphore(%arg15 : memref<!tpu.dma_semaphore, #tpu.memory_space<semaphore_mem>>)
    %dma_wait3A = arith.constant 0 : i32
    %dma_wait3A_25 = arith.constant 0 : i32
    %dma_wait3A_26 = tpu.memref_slice %arg2[%dma_wait3A, %dma_wait3A_25] : memref<800000x128xf32, #tpu.memory_space<hbm>> -> memref<112x72xf32, #tpu.memory_space<hbm>>
    %dma_wait3A_27 = arith.constant 0 : i32
    %dma_wait3A_28 = arith.constant 0 : i32
    %dma_wait3A_29 = tpu.memref_slice %arg2[%dma_wait3A_27, %dma_wait3A_28] : memref<800000x128xf32, #tpu.memory_space<hbm>> -> memref<112x72xf32, #tpu.memory_space<hbm>>
    tpu.wait_dma2 semaphore(%arg14 : memref<!tpu.dma_semaphore, #tpu.memory_space<semaphore_mem>>) src(%dma_wait3A_29 : memref<112x72xf32, #tpu.memory_space<hbm>>) dst(%arg7 : memref<112x72xf32, #tpu.memory_space<vmem>>)
    %dma_wait3A_30 = arith.constant 0 : i32
    %dma_wait3A_31 = tpu.memref_slice %arg3[%dma_wait3A_30] : memref<800000xi32, #tpu.memory_space<hbm>> -> memref<112xi32, #tpu.memory_space<hbm>>
    %dma_wait3A_32 = arith.constant 0 : i32
    %dma_wait3A_33 = tpu.memref_slice %arg3[%dma_wait3A_32] : memref<800000xi32, #tpu.memory_space<hbm>> -> memref<112xi32, #tpu.memory_space<hbm>>
    tpu.wait_dma2 semaphore(%arg14 : memref<!tpu.dma_semaphore, #tpu.memory_space<semaphore_mem>>) src(%dma_wait3A_33 : memref<112xi32, #tpu.memory_space<hbm>>) dst(%arg9 : memref<112xi32, #tpu.memory_space<vmem>>)
    %get3A = arith.constant 0 : index
    %get3A_34 = tpu.vector_load %arg9[%get3A] {strides = array<i32>} : memref<112xi32, #tpu.memory_space<vmem>>, vector<16xi32>,
    %get3A_35 = vector.shape_cast %get3A_34 : vector<16xi32> to vector<16xi32>
    %sub3A = vector.broadcast %mul3A_2 : i32 to vector<16xi32>
    %sub3A_36 = arith.subi %get3A_35, %sub3A : vector<16xi32>
    %lt3A = arith.constant 0 : i32
    %lt3A_37 = vector.broadcast %lt3A : i32 to vector<16xi32>
    %lt3A_38 = arith.cmpi slt, %sub3A_36, %lt3A_37 : vector<16xi32>
    %ge3A = arith.constant 25000 : i32
    %ge3A_39 = vector.broadcast %ge3A : i32 to vector<16xi32>
    %ge3A_40 = arith.cmpi sge, %sub3A_36, %ge3A_39 : vector<16xi32>
    %or3A = arith.ori %lt3A_38, %ge3A_40 : vector<16xi1>
    %and3A = arith.constant 63 : i32
    %and3A_41 = vector.broadcast %and3A : i32 to vector<16xi32>
    %and3A_42 = arith.andi %get3A_35, %and3A_41 : vector<16xi32>
    %add3A_43 = arith.constant 25000 : i32
    %add3A_44 = vector.broadcast %add3A_43 : i32 to vector<16xi32>
    %add3A_45 = arith.addi %add3A_44, %and3A_42 : vector<16xi32>
    %select_n3A = arith.select %or3A, %add3A_45, %sub3A_36 : vector<16xi1>, vector<16xi32>
    %swap3A = arith.constant 0 : index
    %swap3A_46 = tpu.vector_load %arg11[%swap3A] {strides = array<i32>} : memref<112xi32, #tpu.memory_space<vmem>>, vector<16xi32>,
    %swap3A_47 = vector.shape_cast %swap3A_46 : vector<16xi32> to vector<16xi32>
    %swap3A_48 = vector.shape_cast %select_n3A : vector<16xi32> to vector<16xi32>
    tpu.vector_store %arg11[%swap3A], %swap3A_48 {strides = array<i32>} : memref<112xi32, #tpu.memory_space<vmem>>, vector<16xi32>,
    %get3A_49 = arith.constant 16 : index
    %get3A_50 = tpu.vector_load %arg9[%get3A_49] {strides = array<i32>} : memref<112xi32, #tpu.memory_space<vmem>>, vector<16xi32>,
    %get3A_51 = vector.shape_cast %get3A_50 : vector<16xi32> to vector<16xi32>
    %sub3A_52 = vector.broadcast %mul3A_2 : i32 to vector<16xi32>
    %sub3A_53 = arith.subi %get3A_51, %sub3A_52 : vector<16xi32>
    %lt3A_54 = arith.constant 0 : i32
    %lt3A_55 = vector.broadcast %lt3A_54 : i32 to vector<16xi32>
    %lt3A_56 = arith.cmpi slt, %sub3A_53, %lt3A_55 : vector<16xi32>
    %ge3A_57 = arith.constant 25000 : i32
    %ge3A_58 = vector.broadcast %ge3A_57 : i32 to vector<16xi32>
    %ge3A_59 = arith.cmpi sge, %sub3A_53, %ge3A_58 : vector<16xi32>
    %or3A_60 = arith.ori %lt3A_56, %ge3A_59 : vector<16xi1>
    %and3A_61 = arith.constant 63 : i32
    %and3A_62 = vector.broadcast %and3A_61 : i32 to vector<16xi32>
    %and3A_63 = arith.andi %get3A_51, %and3A_62 : vector<16xi32>
    %add3A_64 = arith.constant 25000 : i32
    %add3A_65 = vector.broadcast %add3A_64 : i32 to vector<16xi32>
    %add3A_66 = arith.addi %add3A_65, %and3A_63 : vector<16xi32>
    %select_n3A_67 = arith.select %or3A_60, %add3A_66, %sub3A_53 : vector<16xi1>, vector<16xi32>
    %swap3A_68 = arith.constant 16 : index
    %swap3A_69 = tpu.vector_load %arg11[%swap3A_68] {strides = array<i32>} : memref<112xi32, #tpu.memory_space<vmem>>, vector<16xi32>,
    %swap3A_70 = vector.shape_cast %swap3A_69 : vector<16xi32> to vector<16xi32>
    %swap3A_71 = vector.shape_cast %select_n3A_67 : vector<16xi32> to vector<16xi32>
    tpu.vector_store %arg11[%swap3A_68], %swap3A_71 {strides = array<i32>} : memref<112xi32, #tpu.memory_space<vmem>>, vector<16xi32>,
    %get3A_72 = arith.constant 32 : index
    %get3A_73 = tpu.vector_load %arg9[%get3A_72] {strides = array<i32>} : memref<112xi32, #tpu.memory_space<vmem>>, vector<16xi32>,
    %get3A_74 = vector.shape_cast %get3A_73 : vector<16xi32> to vector<16xi32>
    %sub3A_75 = vector.broadcast %mul3A_2 : i32 to vector<16xi32>
    %sub3A_76 = arith.subi %get3A_74, %sub3A_75 : vector<16xi32>
    %lt3A_77 = arith.constant 0 : i32
    %lt3A_78 = vector.broadcast %lt3A_77 : i32 to vector<16xi32>
    %lt3A_79 = arith.cmpi slt, %sub3A_76, %lt3A_78 : vector<16xi32>
    %ge3A_80 = arith.constant 25000 : i32
    %ge3A_81 = vector.broadcast %ge3A_80 : i32 to vector<16xi32>
    %ge3A_82 = arith.cmpi sge, %sub3A_76, %ge3A_81 : vector<16xi32>
    %or3A_83 = arith.ori %lt3A_79, %ge3A_82 : vector<16xi1>
    %and3A_84 = arith.constant 63 : i32
    %and3A_85 = vector.broadcast %and3A_84 : i32 to vector<16xi32>
    %and3A_86 = arith.andi %get3A_74, %and3A_85 : vector<16xi32>
    %add3A_87 = arith.constant 25000 : i32
    %add3A_88 = vector.broadcast %add3A_87 : i32 to vector<16xi32>
    %add3A_89 = arith.addi %add3A_88, %and3A_86 : vector<16xi32>
    %select_n3A_90 = arith.select %or3A_83, %add3A_89, %sub3A_76 : vector<16xi1>, vector<16xi32>
    %swap3A_91 = arith.constant 32 : index
    %swap3A_92 = tpu.vector_load %arg11[%swap3A_91] {strides = array<i32>} : memref<112xi32, #tpu.memory_space<vmem>>, vector<16xi32>,
    %swap3A_93 = vector.shape_cast %swap3A_92 : vector<16xi32> to vector<16xi32>
    %swap3A_94 = vector.shape_cast %select_n3A_90 : vector<16xi32> to vector<16xi32>
    tpu.vector_store %arg11[%swap3A_91], %swap3A_94 {strides = array<i32>} : memref<112xi32, #tpu.memory_space<vmem>>, vector<16xi32>,
    %get3A_95 = arith.constant 48 : index
    %get3A_96 = tpu.vector_load %arg9[%get3A_95] {strides = array<i32>} : memref<112xi32, #tpu.memory_space<vmem>>, vector<16xi32>,
    %get3A_97 = vector.shape_cast %get3A_96 : vector<16xi32> to vector<16xi32>
    %sub3A_98 = vector.broadcast %mul3A_2 : i32 to vector<16xi32>
    %sub3A_99 = arith.subi %get3A_97, %sub3A_98 : vector<16xi32>
    %lt3A_100 = arith.constant 0 : i32
    %lt3A_101 = vector.broadcast %lt3A_100 : i32 to vector<16xi32>
    %lt3A_102 = arith.cmpi slt, %sub3A_99, %lt3A_101 : vector<16xi32>
    %ge3A_103 = arith.constant 25000 : i32
    %ge3A_104 = vector.broadcast %ge3A_103 : i32 to vector<16xi32>
    %ge3A_105 = arith.cmpi sge, %sub3A_99, %ge3A_104 : vector<16xi32>
    %or3A_106 = arith.ori %lt3A_102, %ge3A_105 : vector<16xi1>
    %and3A_107 = arith.constant 63 : i32
    %and3A_108 = vector.broadcast %and3A_107 : i32 to vector<16xi32>
    %and3A_109 = arith.andi %get3A_97, %and3A_108 : vector<16xi32>
    %add3A_110 = arith.constant 25000 : i32
    %add3A_111 = vector.broadcast %add3A_110 : i32 to vector<16xi32>
    %add3A_112 = arith.addi %add3A_111, %and3A_109 : vector<16xi32>
    %select_n3A_113 = arith.select %or3A_106, %add3A_112, %sub3A_99 : vector<16xi1>, vector<16xi32>
    %swap3A_114 = arith.constant 48 : index
    %swap3A_115 = tpu.vector_load %arg11[%swap3A_114] {strides = array<i32>} : memref<112xi32, #tpu.memory_space<vmem>>, vector<16xi32>,
    %swap3A_116 = vector.shape_cast %swap3A_115 : vector<16xi32> to vector<16xi32>
    %swap3A_117 = vector.shape_cast %select_n3A_113 : vector<16xi32> to vector<16xi32>
    tpu.vector_store %arg11[%swap3A_114], %swap3A_117 {strides = array<i32>} : memref<112xi32, #tpu.memory_space<vmem>>, vector<16xi32>,
    %get3A_118 = arith.constant 64 : index
    %get3A_119 = tpu.vector_load %arg9[%get3A_118] {strides = array<i32>} : memref<112xi32, #tpu.memory_space<vmem>>, vector<16xi32>,
    %get3A_120 = vector.shape_cast %get3A_119 : vector<16xi32> to vector<16xi32>
    %sub3A_121 = vector.broadcast %mul3A_2 : i32 to vector<16xi32>
    %sub3A_122 = arith.subi %get3A_120, %sub3A_121 : vector<16xi32>
    %lt3A_123 = arith.constant 0 : i32
    %lt3A_124 = vector.broadcast %lt3A_123 : i32 to vector<16xi32>
    %lt3A_125 = arith.cmpi slt, %sub3A_122, %lt3A_124 : vector<16xi32>
    %ge3A_126 = arith.constant 25000 : i32
    %ge3A_127 = vector.broadcast %ge3A_126 : i32 to vector<16xi32>
    %ge3A_128 = arith.cmpi sge, %sub3A_122, %ge3A_127 : vector<16xi32>
    %or3A_129 = arith.ori %lt3A_125, %ge3A_128 : vector<16xi1>
    %and3A_130 = arith.constant 63 : i32
    %and3A_131 = vector.broadcast %and3A_130 : i32 to vector<16xi32>
    %and3A_132 = arith.andi %get3A_120, %and3A_131 : vector<16xi32>
    %add3A_133 = arith.constant 25000 : i32
    %add3A_134 = vector.broadcast %add3A_133 : i32 to vector<16xi32>
    %add3A_135 = arith.addi %add3A_134, %and3A_132 : vector<16xi32>
    %select_n3A_136 = arith.select %or3A_129, %add3A_135, %sub3A_122 : vector<16xi1>, vector<16xi32>
    %swap3A_137 = arith.constant 64 : index
    %swap3A_138 = tpu.vector_load %arg11[%swap3A_137] {strides = array<i32>} : memref<112xi32, #tpu.memory_space<vmem>>, vector<16xi32>,
    %swap3A_139 = vector.shape_cast %swap3A_138 : vector<16xi32> to vector<16xi32>
    %swap3A_140 = vector.shape_cast %select_n3A_136 : vector<16xi32> to vector<16xi32>
    tpu.vector_store %arg11[%swap3A_137], %swap3A_140 {strides = array<i32>} : memref<112xi32, #tpu.memory_space<vmem>>, vector<16xi32>,
    %get3A_141 = arith.constant 80 : index
    %get3A_142 = tpu.vector_load %arg9[%get3A_141] {strides = array<i32>} : memref<112xi32, #tpu.memory_space<vmem>>, vector<16xi32>,
    %get3A_143 = vector.shape_cast %get3A_142 : vector<16xi32> to vector<16xi32>
    %sub3A_144 = vector.broadcast %mul3A_2 : i32 to vector<16xi32>
    %sub3A_145 = arith.subi %get3A_143, %sub3A_144 : vector<16xi32>
    %lt3A_146 = arith.constant 0 : i32
    %lt3A_147 = vector.broadcast %lt3A_146 : i32 to vector<16xi32>
    %lt3A_148 = arith.cmpi slt, %sub3A_145, %lt3A_147 : vector<16xi32>
    %ge3A_149 = arith.constant 25000 : i32
    %ge3A_150 = vector.broadcast %ge3A_149 : i32 to vector<16xi32>
    %ge3A_151 = arith.cmpi sge, %sub3A_145, %ge3A_150 : vector<16xi32>
    %or3A_152 = arith.ori %lt3A_148, %ge3A_151 : vector<16xi1>
    %and3A_153 = arith.constant 63 : i32
    %and3A_154 = vector.broadcast %and3A_153 : i32 to vector<16xi32>
    %and3A_155 = arith.andi %get3A_143, %and3A_154 : vector<16xi32>
    %add3A_156 = arith.constant 25000 : i32
    %add3A_157 = vector.broadcast %add3A_156 : i32 to vector<16xi32>
    %add3A_158 = arith.addi %add3A_157, %and3A_155 : vector<16xi32>
    %select_n3A_159 = arith.select %or3A_152, %add3A_158, %sub3A_145 : vector<16xi1>, vector<16xi32>
    %swap3A_160 = arith.constant 80 : index
    %swap3A_161 = tpu.vector_load %arg11[%swap3A_160] {strides = array<i32>} : memref<112xi32, #tpu.memory_space<vmem>>, vector<16xi32>,
    %swap3A_162 = vector.shape_cast %swap3A_161 : vector<16xi32> to vector<16xi32>
    %swap3A_163 = vector.shape_cast %select_n3A_159 : vector<16xi32> to vector<16xi32>
    tpu.vector_store %arg11[%swap3A_160], %swap3A_163 {strides = array<i32>} : memref<112xi32, #tpu.memory_space<vmem>>, vector<16xi32>,
    %get3A_164 = arith.constant 96 : index
    %get3A_165 = tpu.vector_load %arg9[%get3A_164] {strides = array<i32>} : memref<112xi32, #tpu.memory_space<vmem>>, vector<16xi32>,
    %get3A_166 = vector.shape_cast %get3A_165 : vector<16xi32> to vector<16xi32>
    %sub3A_167 = vector.broadcast %mul3A_2 : i32 to vector<16xi32>
    %sub3A_168 = arith.subi %get3A_166, %sub3A_167 : vector<16xi32>
    %lt3A_169 = arith.constant 0 : i32
    %lt3A_170 = vector.broadcast %lt3A_169 : i32 to vector<16xi32>
    %lt3A_171 = arith.cmpi slt, %sub3A_168, %lt3A_170 : vector<16xi32>
    %ge3A_172 = arith.constant 25000 : i32
    %ge3A_173 = vector.broadcast %ge3A_172 : i32 to vector<16xi32>
    %ge3A_174 = arith.cmpi sge, %sub3A_168, %ge3A_173 : vector<16xi32>
    %or3A_175 = arith.ori %lt3A_171, %ge3A_174 : vector<16xi1>
    %and3A_176 = arith.constant 63 : i32
    %and3A_177 = vector.broadcast %and3A_176 : i32 to vector<16xi32>
    %and3A_178 = arith.andi %get3A_166, %and3A_177 : vector<16xi32>
    %add3A_179 = arith.constant 25000 : i32
    %add3A_180 = vector.broadcast %add3A_179 : i32 to vector<16xi32>
    %add3A_181 = arith.addi %add3A_180, %and3A_178 : vector<16xi32>
    %select_n3A_182 = arith.select %or3A_175, %add3A_181, %sub3A_168 : vector<16xi1>, vector<16xi32>
    %swap3A_183 = arith.constant 96 : index
    %swap3A_184 = tpu.vector_load %arg11[%swap3A_183] {strides = array<i32>} : memref<112xi32, #tpu.memory_space<vmem>>, vector<16xi32>,
    %swap3A_185 = vector.shape_cast %swap3A_184 : vector<16xi32> to vector<16xi32>
    %swap3A_186 = vector.shape_cast %select_n3A_182 : vector<16xi32> to vector<16xi32>
    tpu.vector_store %arg11[%swap3A_183], %swap3A_186 {strides = array<i32>} : memref<112xi32, #tpu.memory_space<vmem>>, vector<16xi32>,
    "tpu.region"() ({
      %run_scoped3A = tpu.sem_alloc : memref<!tpu.dma_semaphore, #tpu.memory_space<semaphore_mem>>
      %dma_start3A_438 = arith.constant 0 : i32
      %dma_start3A_439 = arith.constant 0 : i32
      %dma_start3A_440 = tpu.memref_slice %arg6[%dma_start3A_438, %dma_start3A_439] : memref<25088x72xf32, #tpu.memory_space<vmem_shared>> -> memref<25088x72xf32, #tpu.memory_space<vmem_shared>>
      tpu.enqueue_indirect_dma source(%arg7 : memref<112x72xf32, #tpu.memory_space<vmem>>) target(%dma_start3A_440 : memref<25088x72xf32, #tpu.memory_space<vmem_shared>>) offsets(%arg11 : memref<112xi32, #tpu.memory_space<vmem>>) semaphore(%run_scoped3A : memref<!tpu.dma_semaphore, #tpu.memory_space<semaphore_mem>>) {add = true}
      %dma_wait3A_441 = arith.constant 0 : i32
      %dma_wait3A_442 = arith.constant 0 : i32
      %dma_wait3A_443 = tpu.memref_slice %arg6[%dma_wait3A_441, %dma_wait3A_442] : memref<25088x72xf32, #tpu.memory_space<vmem_shared>> -> memref<25088x72xf32, #tpu.memory_space<vmem_shared>>
      tpu.wait_indirect_dma semaphore(%run_scoped3A : memref<!tpu.dma_semaphore, #tpu.memory_space<semaphore_mem>>) src(%arg7 : memref<112x72xf32, #tpu.memory_space<vmem>>) dst(%dma_wait3A_443 : memref<25088x72xf32, #tpu.memory_space<vmem_shared>>)
      tpu.yield
    }) : () -> ()
    %dma_wait3A_187 = arith.constant 0 : i32
    %dma_wait3A_188 = arith.constant 0 : i32
    %dma_wait3A_189 = tpu.memref_slice %arg2[%dma_wait3A_187, %dma_wait3A_188] : memref<800000x128xf32, #tpu.memory_space<hbm>> -> memref<112x72xf32, #tpu.memory_space<hbm>>
    %dma_wait3A_190 = arith.constant 0 : i32
    %dma_wait3A_191 = arith.constant 0 : i32
    %dma_wait3A_192 = tpu.memref_slice %arg2[%dma_wait3A_190, %dma_wait3A_191] : memref<800000x128xf32, #tpu.memory_space<hbm>> -> memref<112x72xf32, #tpu.memory_space<hbm>>
    tpu.wait_dma2 semaphore(%arg15 : memref<!tpu.dma_semaphore, #tpu.memory_space<semaphore_mem>>) src(%dma_wait3A_192 : memref<112x72xf32, #tpu.memory_space<hbm>>) dst(%arg8 : memref<112x72xf32, #tpu.memory_space<vmem>>)
    %dma_wait3A_193 = arith.constant 0 : i32
    %dma_wait3A_194 = tpu.memref_slice %arg3[%dma_wait3A_193] : memref<800000xi32, #tpu.memory_space<hbm>> -> memref<112xi32, #tpu.memory_space<hbm>>
    %dma_wait3A_195 = arith.constant 0 : i32
    %dma_wait3A_196 = tpu.memref_slice %arg3[%dma_wait3A_195] : memref<800000xi32, #tpu.memory_space<hbm>> -> memref<112xi32, #tpu.memory_space<hbm>>
    tpu.wait_dma2 semaphore(%arg15 : memref<!tpu.dma_semaphore, #tpu.memory_space<semaphore_mem>>) src(%dma_wait3A_196 : memref<112xi32, #tpu.memory_space<hbm>>) dst(%arg10 : memref<112xi32, #tpu.memory_space<vmem>>)
    %get3A_197 = arith.constant 0 : index
    %get3A_198 = tpu.vector_load %arg10[%get3A_197] {strides = array<i32>} : memref<112xi32, #tpu.memory_space<vmem>>, vector<16xi32>,
    %get3A_199 = vector.shape_cast %get3A_198 : vector<16xi32> to vector<16xi32>
    %sub3A_200 = vector.broadcast %mul3A_2 : i32 to vector<16xi32>
    %sub3A_201 = arith.subi %get3A_199, %sub3A_200 : vector<16xi32>
    %lt3A_202 = arith.constant 0 : i32
    %lt3A_203 = vector.broadcast %lt3A_202 : i32 to vector<16xi32>
    %lt3A_204 = arith.cmpi slt, %sub3A_201, %lt3A_203 : vector<16xi32>
    %ge3A_205 = arith.constant 25000 : i32
    %ge3A_206 = vector.broadcast %ge3A_205 : i32 to vector<16xi32>
    %ge3A_207 = arith.cmpi sge, %sub3A_201, %ge3A_206 : vector<16xi32>
    %or3A_208 = arith.ori %lt3A_204, %ge3A_207 : vector<16xi1>
    %and3A_209 = arith.constant 63 : i32
    %and3A_210 = vector.broadcast %and3A_209 : i32 to vector<16xi32>
    %and3A_211 = arith.andi %get3A_199, %and3A_210 : vector<16xi32>
    %add3A_212 = arith.constant 25000 : i32
    %add3A_213 = vector.broadcast %add3A_212 : i32 to vector<16xi32>
    %add3A_214 = arith.addi %add3A_213, %and3A_211 : vector<16xi32>
    %select_n3A_215 = arith.select %or3A_208, %add3A_214, %sub3A_201 : vector<16xi1>, vector<16xi32>
    %swap3A_216 = arith.constant 0 : index
    %swap3A_217 = tpu.vector_load %arg12[%swap3A_216] {strides = array<i32>} : memref<112xi32, #tpu.memory_space<vmem>>, vector<16xi32>,
    %swap3A_218 = vector.shape_cast %swap3A_217 : vector<16xi32> to vector<16xi32>
    %swap3A_219 = vector.shape_cast %select_n3A_215 : vector<16xi32> to vector<16xi32>
    tpu.vector_store %arg12[%swap3A_216], %swap3A_219 {strides = array<i32>} : memref<112xi32, #tpu.memory_space<vmem>>, vector<16xi32>,
    %get3A_220 = arith.constant 16 : index
    %get3A_221 = tpu.vector_load %arg10[%get3A_220] {strides = array<i32>} : memref<112xi32, #tpu.memory_space<vmem>>, vector<16xi32>,
    %get3A_222 = vector.shape_cast %get3A_221 : vector<16xi32> to vector<16xi32>
    %sub3A_223 = vector.broadcast %mul3A_2 : i32 to vector<16xi32>
    %sub3A_224 = arith.subi %get3A_222, %sub3A_223 : vector<16xi32>
    %lt3A_225 = arith.constant 0 : i32
    %lt3A_226 = vector.broadcast %lt3A_225 : i32 to vector<16xi32>
    %lt3A_227 = arith.cmpi slt, %sub3A_224, %lt3A_226 : vector<16xi32>
    %ge3A_228 = arith.constant 25000 : i32
    %ge3A_229 = vector.broadcast %ge3A_228 : i32 to vector<16xi32>
    %ge3A_230 = arith.cmpi sge, %sub3A_224, %ge3A_229 : vector<16xi32>
    %or3A_231 = arith.ori %lt3A_227, %ge3A_230 : vector<16xi1>
    %and3A_232 = arith.constant 63 : i32
    %and3A_233 = vector.broadcast %and3A_232 : i32 to vector<16xi32>
    %and3A_234 = arith.andi %get3A_222, %and3A_233 : vector<16xi32>
    %add3A_235 = arith.constant 25000 : i32
    %add3A_236 = vector.broadcast %add3A_235 : i32 to vector<16xi32>
    %add3A_237 = arith.addi %add3A_236, %and3A_234 : vector<16xi32>
    %select_n3A_238 = arith.select %or3A_231, %add3A_237, %sub3A_224 : vector<16xi1>, vector<16xi32>
    %swap3A_239 = arith.constant 16 : index
    %swap3A_240 = tpu.vector_load %arg12[%swap3A_239] {strides = array<i32>} : memref<112xi32, #tpu.memory_space<vmem>>, vector<16xi32>,
    %swap3A_241 = vector.shape_cast %swap3A_240 : vector<16xi32> to vector<16xi32>
    %swap3A_242 = vector.shape_cast %select_n3A_238 : vector<16xi32> to vector<16xi32>
    tpu.vector_store %arg12[%swap3A_239], %swap3A_242 {strides = array<i32>} : memref<112xi32, #tpu.memory_space<vmem>>, vector<16xi32>,
    %get3A_243 = arith.constant 32 : index
    %get3A_244 = tpu.vector_load %arg10[%get3A_243] {strides = array<i32>} : memref<112xi32, #tpu.memory_space<vmem>>, vector<16xi32>,
    %get3A_245 = vector.shape_cast %get3A_244 : vector<16xi32> to vector<16xi32>
    %sub3A_246 = vector.broadcast %mul3A_2 : i32 to vector<16xi32>
    %sub3A_247 = arith.subi %get3A_245, %sub3A_246 : vector<16xi32>
    %lt3A_248 = arith.constant 0 : i32
    %lt3A_249 = vector.broadcast %lt3A_248 : i32 to vector<16xi32>
    %lt3A_250 = arith.cmpi slt, %sub3A_247, %lt3A_249 : vector<16xi32>
    %ge3A_251 = arith.constant 25000 : i32
    %ge3A_252 = vector.broadcast %ge3A_251 : i32 to vector<16xi32>
    %ge3A_253 = arith.cmpi sge, %sub3A_247, %ge3A_252 : vector<16xi32>
    %or3A_254 = arith.ori %lt3A_250, %ge3A_253 : vector<16xi1>
    %and3A_255 = arith.constant 63 : i32
    %and3A_256 = vector.broadcast %and3A_255 : i32 to vector<16xi32>
    %and3A_257 = arith.andi %get3A_245, %and3A_256 : vector<16xi32>
    %add3A_258 = arith.constant 25000 : i32
    %add3A_259 = vector.broadcast %add3A_258 : i32 to vector<16xi32>
    %add3A_260 = arith.addi %add3A_259, %and3A_257 : vector<16xi32>
    %select_n3A_261 = arith.select %or3A_254, %add3A_260, %sub3A_247 : vector<16xi1>, vector<16xi32>
    %swap3A_262 = arith.constant 32 : index
    %swap3A_263 = tpu.vector_load %arg12[%swap3A_262] {strides = array<i32>} : memref<112xi32, #tpu.memory_space<vmem>>, vector<16xi32>,
    %swap3A_264 = vector.shape_cast %swap3A_263 : vector<16xi32> to vector<16xi32>
    %swap3A_265 = vector.shape_cast %select_n3A_261 : vector<16xi32> to vector<16xi32>
    tpu.vector_store %arg12[%swap3A_262], %swap3A_265 {strides = array<i32>} : memref<112xi32, #tpu.memory_space<vmem>>, vector<16xi32>,
    %get3A_266 = arith.constant 48 : index
    %get3A_267 = tpu.vector_load %arg10[%get3A_266] {strides = array<i32>} : memref<112xi32, #tpu.memory_space<vmem>>, vector<16xi32>,
    %get3A_268 = vector.shape_cast %get3A_267 : vector<16xi32> to vector<16xi32>
    %sub3A_269 = vector.broadcast %mul3A_2 : i32 to vector<16xi32>
    %sub3A_270 = arith.subi %get3A_268, %sub3A_269 : vector<16xi32>
    %lt3A_271 = arith.constant 0 : i32
    %lt3A_272 = vector.broadcast %lt3A_271 : i32 to vector<16xi32>
    %lt3A_273 = arith.cmpi slt, %sub3A_270, %lt3A_272 : vector<16xi32>
    %ge3A_274 = arith.constant 25000 : i32
    %ge3A_275 = vector.broadcast %ge3A_274 : i32 to vector<16xi32>
    %ge3A_276 = arith.cmpi sge, %sub3A_270, %ge3A_275 : vector<16xi32>
    %or3A_277 = arith.ori %lt3A_273, %ge3A_276 : vector<16xi1>
    %and3A_278 = arith.constant 63 : i32
    %and3A_279 = vector.broadcast %and3A_278 : i32 to vector<16xi32>
    %and3A_280 = arith.andi %get3A_268, %and3A_279 : vector<16xi32>
    %add3A_281 = arith.constant 25000 : i32
    %add3A_282 = vector.broadcast %add3A_281 : i32 to vector<16xi32>
    %add3A_283 = arith.addi %add3A_282, %and3A_280 : vector<16xi32>
    %select_n3A_284 = arith.select %or3A_277, %add3A_283, %sub3A_270 : vector<16xi1>, vector<16xi32>
    %swap3A_285 = arith.constant 48 : index
    %swap3A_286 = tpu.vector_load %arg12[%swap3A_285] {strides = array<i32>} : memref<112xi32, #tpu.memory_space<vmem>>, vector<16xi32>,
    %swap3A_287 = vector.shape_cast %swap3A_286 : vector<16xi32> to vector<16xi32>
    %swap3A_288 = vector.shape_cast %select_n3A_284 : vector<16xi32> to vector<16xi32>
    tpu.vector_store %arg12[%swap3A_285], %swap3A_288 {strides = array<i32>} : memref<112xi32, #tpu.memory_space<vmem>>, vector<16xi32>,
    %get3A_289 = arith.constant 64 : index
    %get3A_290 = tpu.vector_load %arg10[%get3A_289] {strides = array<i32>} : memref<112xi32, #tpu.memory_space<vmem>>, vector<16xi32>,
    %get3A_291 = vector.shape_cast %get3A_290 : vector<16xi32> to vector<16xi32>
    %sub3A_292 = vector.broadcast %mul3A_2 : i32 to vector<16xi32>
    %sub3A_293 = arith.subi %get3A_291, %sub3A_292 : vector<16xi32>
    %lt3A_294 = arith.constant 0 : i32
    %lt3A_295 = vector.broadcast %lt3A_294 : i32 to vector<16xi32>
    %lt3A_296 = arith.cmpi slt, %sub3A_293, %lt3A_295 : vector<16xi32>
    %ge3A_297 = arith.constant 25000 : i32
    %ge3A_298 = vector.broadcast %ge3A_297 : i32 to vector<16xi32>
    %ge3A_299 = arith.cmpi sge, %sub3A_293, %ge3A_298 : vector<16xi32>
    %or3A_300 = arith.ori %lt3A_296, %ge3A_299 : vector<16xi1>
    %and3A_301 = arith.constant 63 : i32
    %and3A_302 = vector.broadcast %and3A_301 : i32 to vector<16xi32>
    %and3A_303 = arith.andi %get3A_291, %and3A_302 : vector<16xi32>
    %add3A_304 = arith.constant 25000 : i32
    %add3A_305 = vector.broadcast %add3A_304 : i32 to vector<16xi32>
    %add3A_306 = arith.addi %add3A_305, %and3A_303 : vector<16xi32>
    %select_n3A_307 = arith.select %or3A_300, %add3A_306, %sub3A_293 : vector<16xi1>, vector<16xi32>
    %swap3A_308 = arith.constant 64 : index
    %swap3A_309 = tpu.vector_load %arg12[%swap3A_308] {strides = array<i32>} : memref<112xi32, #tpu.memory_space<vmem>>, vector<16xi32>,
    %swap3A_310 = vector.shape_cast %swap3A_309 : vector<16xi32> to vector<16xi32>
    %swap3A_311 = vector.shape_cast %select_n3A_307 : vector<16xi32> to vector<16xi32>
    tpu.vector_store %arg12[%swap3A_308], %swap3A_311 {strides = array<i32>} : memref<112xi32, #tpu.memory_space<vmem>>, vector<16xi32>,
    %get3A_312 = arith.constant 80 : index
    %get3A_313 = tpu.vector_load %arg10[%get3A_312] {strides = array<i32>} : memref<112xi32, #tpu.memory_space<vmem>>, vector<16xi32>,
    %get3A_314 = vector.shape_cast %get3A_313 : vector<16xi32> to vector<16xi32>
    %sub3A_315 = vector.broadcast %mul3A_2 : i32 to vector<16xi32>
    %sub3A_316 = arith.subi %get3A_314, %sub3A_315 : vector<16xi32>
    %lt3A_317 = arith.constant 0 : i32
    %lt3A_318 = vector.broadcast %lt3A_317 : i32 to vector<16xi32>
    %lt3A_319 = arith.cmpi slt, %sub3A_316, %lt3A_318 : vector<16xi32>
    %ge3A_320 = arith.constant 25000 : i32
    %ge3A_321 = vector.broadcast %ge3A_320 : i32 to vector<16xi32>
    %ge3A_322 = arith.cmpi sge, %sub3A_316, %ge3A_321 : vector<16xi32>
    %or3A_323 = arith.ori %lt3A_319, %ge3A_322 : vector<16xi1>
    %and3A_324 = arith.constant 63 : i32
    %and3A_325 = vector.broadcast %and3A_324 : i32 to vector<16xi32>
    %and3A_326 = arith.andi %get3A_314, %and3A_325 : vector<16xi32>
    %add3A_327 = arith.constant 25000 : i32
    %add3A_328 = vector.broadcast %add3A_327 : i32 to vector<16xi32>
    %add3A_329 = arith.addi %add3A_328, %and3A_326 : vector<16xi32>
    %select_n3A_330 = arith.select %or3A_323, %add3A_329, %sub3A_316 : vector<16xi1>, vector<16xi32>
    %swap3A_331 = arith.constant 80 : index
    %swap3A_332 = tpu.vector_load %arg12[%swap3A_331] {strides = array<i32>} : memref<112xi32, #tpu.memory_space<vmem>>, vector<16xi32>,
    %swap3A_333 = vector.shape_cast %swap3A_332 : vector<16xi32> to vector<16xi32>
    %swap3A_334 = vector.shape_cast %select_n3A_330 : vector<16xi32> to vector<16xi32>
    tpu.vector_store %arg12[%swap3A_331], %swap3A_334 {strides = array<i32>} : memref<112xi32, #tpu.memory_space<vmem>>, vector<16xi32>,
    %get3A_335 = arith.constant 96 : index
    %get3A_336 = tpu.vector_load %arg10[%get3A_335] {strides = array<i32>} : memref<112xi32, #tpu.memory_space<vmem>>, vector<16xi32>,
    %get3A_337 = vector.shape_cast %get3A_336 : vector<16xi32> to vector<16xi32>
    %sub3A_338 = vector.broadcast %mul3A_2 : i32 to vector<16xi32>
    %sub3A_339 = arith.subi %get3A_337, %sub3A_338 : vector<16xi32>
    %lt3A_340 = arith.constant 0 : i32
    %lt3A_341 = vector.broadcast %lt3A_340 : i32 to vector<16xi32>
    %lt3A_342 = arith.cmpi slt, %sub3A_339, %lt3A_341 : vector<16xi32>
    %ge3A_343 = arith.constant 25000 : i32
    %ge3A_344 = vector.broadcast %ge3A_343 : i32 to vector<16xi32>
    %ge3A_345 = arith.cmpi sge, %sub3A_339, %ge3A_344 : vector<16xi32>
    %or3A_346 = arith.ori %lt3A_342, %ge3A_345 : vector<16xi1>
    %and3A_347 = arith.constant 63 : i32
    %and3A_348 = vector.broadcast %and3A_347 : i32 to vector<16xi32>
    %and3A_349 = arith.andi %get3A_337, %and3A_348 : vector<16xi32>
    %add3A_350 = arith.constant 25000 : i32
    %add3A_351 = vector.broadcast %add3A_350 : i32 to vector<16xi32>
    %add3A_352 = arith.addi %add3A_351, %and3A_349 : vector<16xi32>
    %select_n3A_353 = arith.select %or3A_346, %add3A_352, %sub3A_339 : vector<16xi1>, vector<16xi32>
    %swap3A_354 = arith.constant 96 : index
    %swap3A_355 = tpu.vector_load %arg12[%swap3A_354] {strides = array<i32>} : memref<112xi32, #tpu.memory_space<vmem>>, vector<16xi32>,
    %swap3A_356 = vector.shape_cast %swap3A_355 : vector<16xi32> to vector<16xi32>
    %swap3A_357 = vector.shape_cast %select_n3A_353 : vector<16xi32> to vector<16xi32>
    tpu.vector_store %arg12[%swap3A_354], %swap3A_357 {strides = array<i32>} : memref<112xi32, #tpu.memory_space<vmem>>, vector<16xi32>,
    "tpu.region"() ({
      %run_scoped3A = tpu.sem_alloc : memref<!tpu.dma_semaphore, #tpu.memory_space<semaphore_mem>>
      %dma_start3A_438 = arith.constant 0 : i32
      %dma_start3A_439 = arith.constant 0 : i32
      %dma_start3A_440 = tpu.memref_slice %arg6[%dma_start3A_438, %dma_start3A_439] : memref<25088x72xf32, #tpu.memory_space<vmem_shared>> -> memref<25088x72xf32, #tpu.memory_space<vmem_shared>>
      tpu.enqueue_indirect_dma source(%arg8 : memref<112x72xf32, #tpu.memory_space<vmem>>) target(%dma_start3A_440 : memref<25088x72xf32, #tpu.memory_space<vmem_shared>>) offsets(%arg12 : memref<112xi32, #tpu.memory_space<vmem>>) semaphore(%run_scoped3A : memref<!tpu.dma_semaphore, #tpu.memory_space<semaphore_mem>>) {add = true}
      %dma_wait3A_441 = arith.constant 0 : i32
      %dma_wait3A_442 = arith.constant 0 : i32
      %dma_wait3A_443 = tpu.memref_slice %arg6[%dma_wait3A_441, %dma_wait3A_442] : memref<25088x72xf32, #tpu.memory_space<vmem_shared>> -> memref<25088x72xf32, #tpu.memory_space<vmem_shared>>
      tpu.wait_indirect_dma semaphore(%run_scoped3A : memref<!tpu.dma_semaphore, #tpu.memory_space<semaphore_mem>>) src(%arg8 : memref<112x72xf32, #tpu.memory_space<vmem>>) dst(%dma_wait3A_443 : memref<25088x72xf32, #tpu.memory_space<vmem_shared>>)
      tpu.yield
    }) : () -> ()
    %add3A_358 = arith.constant 49952 : i32
    %add3A_359 = arith.addi %mul3A_4, %add3A_358 : i32
    %multiple_of3A_360 = tpu.assume_multiple %add3A_359, 8 : i32
    "tpu.region"() ({
      %run_scoped3A = tpu.sem_alloc : memref<!tpu.dma_semaphore, #tpu.memory_space<semaphore_mem>>
      %dma_start3A_438 = arith.constant 0 : i32
      %dma_start3A_439 = arith.constant 0 : i32
      %dma_start3A_440 = tpu.memref_slice %arg7[%dma_start3A_438, %dma_start3A_439] : memref<112x72xf32, #tpu.memory_space<vmem>> -> memref<48x72xf32, #tpu.memory_space<vmem>>
      %dma_start3A_441 = arith.constant 0 : i32
      %dma_start3A_442 = tpu.memref_slice %arg2[%multiple_of3A_360, %dma_start3A_441] : memref<800000x128xf32, #tpu.memory_space<hbm>> -> memref<48x72xf32, #tpu.memory_space<hbm>>
      %dma_start3A_443 = arith.constant 0 : i32
      %dma_start3A_444 = arith.constant 0 : i32
      %dma_start3A_445 = tpu.memref_slice %arg7[%dma_start3A_443, %dma_start3A_444] : memref<112x72xf32, #tpu.memory_space<vmem>> -> memref<48x72xf32, #tpu.memory_space<vmem>>
      %dma_start3A_446 = arith.constant 0 : i32
      %dma_start3A_447 = tpu.memref_slice %arg2[%multiple_of3A_360, %dma_start3A_446] : memref<800000x128xf32, #tpu.memory_space<hbm>> -> memref<48x72xf32, #tpu.memory_space<hbm>>
      tpu.enqueue_dma source(%dma_start3A_447 : memref<48x72xf32, #tpu.memory_space<hbm>>) target(%dma_start3A_445 : memref<48x72xf32, #tpu.memory_space<vmem>>) target_semaphore(%run_scoped3A : memref<!tpu.dma_semaphore, #tpu.memory_space<semaphore_mem>>)
      %dma_wait3A_448 = arith.constant 0 : i32
      %dma_wait3A_449 = arith.constant 0 : i32
      %dma_wait3A_450 = tpu.memref_slice %arg7[%dma_wait3A_448, %dma_wait3A_449] : memref<112x72xf32, #tpu.memory_space<vmem>> -> memref<48x72xf32, #tpu.memory_space<vmem>>
      %dma_wait3A_451 = arith.constant 0 : i32
      %dma_wait3A_452 = tpu.memref_slice %arg2[%multiple_of3A_360, %dma_wait3A_451] : memref<800000x128xf32, #tpu.memory_space<hbm>> -> memref<48x72xf32, #tpu.memory_space<hbm>>
      %dma_wait3A_453 = arith.constant 0 : i32
      %dma_wait3A_454 = arith.constant 0 : i32
      %dma_wait3A_455 = tpu.memref_slice %arg7[%dma_wait3A_453, %dma_wait3A_454] : memref<112x72xf32, #tpu.memory_space<vmem>> -> memref<48x72xf32, #tpu.memory_space<vmem>>
      %dma_wait3A_456 = arith.constant 0 : i32
      %dma_wait3A_457 = tpu.memref_slice %arg2[%multiple_of3A_360, %dma_wait3A_456] : memref<800000x128xf32, #tpu.memory_space<hbm>> -> memref<48x72xf32, #tpu.memory_space<hbm>>
      tpu.wait_dma2 semaphore(%run_scoped3A : memref<!tpu.dma_semaphore, #tpu.memory_space<semaphore_mem>>) src(%dma_wait3A_457 : memref<48x72xf32, #tpu.memory_space<hbm>>) dst(%dma_wait3A_455 : memref<48x72xf32, #tpu.memory_space<vmem>>)
      tpu.yield
    }) : () -> ()
    "tpu.region"() ({
      %run_scoped3A = tpu.sem_alloc : memref<!tpu.dma_semaphore, #tpu.memory_space<semaphore_mem>>
      %dma_start3A_438 = arith.constant 0 : i32
      %dma_start3A_439 = tpu.memref_slice %arg9[%dma_start3A_438] : memref<112xi32, #tpu.memory_space<vmem>> -> memref<48xi32, #tpu.memory_space<vmem>>
      %dma_start3A_440 = tpu.memref_slice %arg3[%multiple_of3A_360] : memref<800000xi32, #tpu.memory_space<hbm>> -> memref<48xi32, #tpu.memory_space<hbm>>
      %dma_start3A_441 = arith.constant 0 : i32
      %dma_start3A_442 = tpu.memref_slice %arg9[%dma_start3A_441] : memref<112xi32, #tpu.memory_space<vmem>> -> memref<48xi32, #tpu.memory_space<vmem>>
      %dma_start3A_443 = tpu.memref_slice %arg3[%multiple_of3A_360] : memref<800000xi32, #tpu.memory_space<hbm>> -> memref<48xi32, #tpu.memory_space<hbm>>
      tpu.enqueue_dma source(%dma_start3A_443 : memref<48xi32, #tpu.memory_space<hbm>>) target(%dma_start3A_442 : memref<48xi32, #tpu.memory_space<vmem>>) target_semaphore(%run_scoped3A : memref<!tpu.dma_semaphore, #tpu.memory_space<semaphore_mem>>)
      %dma_wait3A_444 = arith.constant 0 : i32
      %dma_wait3A_445 = tpu.memref_slice %arg9[%dma_wait3A_444] : memref<112xi32, #tpu.memory_space<vmem>> -> memref<48xi32, #tpu.memory_space<vmem>>
      %dma_wait3A_446 = tpu.memref_slice %arg3[%multiple_of3A_360] : memref<800000xi32, #tpu.memory_space<hbm>> -> memref<48xi32, #tpu.memory_space<hbm>>
      %dma_wait3A_447 = arith.constant 0 : i32
      %dma_wait3A_448 = tpu.memref_slice %arg9[%dma_wait3A_447] : memref<112xi32, #tpu.memory_space<vmem>> -> memref<48xi32, #tpu.memory_space<vmem>>
      %dma_wait3A_449 = tpu.memref_slice %arg3[%multiple_of3A_360] : memref<800000xi32, #tpu.memory_space<hbm>> -> memref<48xi32, #tpu.memory_space<hbm>>
      tpu.wait_dma2 semaphore(%run_scoped3A : memref<!tpu.dma_semaphore, #tpu.memory_space<semaphore_mem>>) src(%dma_wait3A_449 : memref<48xi32, #tpu.memory_space<hbm>>) dst(%dma_wait3A_448 : memref<48xi32, #tpu.memory_space<vmem>>)
      tpu.yield
    }) : () -> ()
    %get3A_361 = arith.constant 0 : index
    %get3A_362 = tpu.vector_load %arg9[%get3A_361] {strides = array<i32>} : memref<112xi32, #tpu.memory_space<vmem>>, vector<16xi32>,
    %get3A_363 = vector.shape_cast %get3A_362 : vector<16xi32> to vector<16xi32>
    %sub3A_364 = vector.broadcast %mul3A_2 : i32 to vector<16xi32>
    %sub3A_365 = arith.subi %get3A_363, %sub3A_364 : vector<16xi32>
    %lt3A_366 = arith.constant 0 : i32
    %lt3A_367 = vector.broadcast %lt3A_366 : i32 to vector<16xi32>
    %lt3A_368 = arith.cmpi slt, %sub3A_365, %lt3A_367 : vector<16xi32>
    %ge3A_369 = arith.constant 25000 : i32
    %ge3A_370 = vector.broadcast %ge3A_369 : i32 to vector<16xi32>
    %ge3A_371 = arith.cmpi sge, %sub3A_365, %ge3A_370 : vector<16xi32>
    %or3A_372 = arith.ori %lt3A_368, %ge3A_371 : vector<16xi1>
    %and3A_373 = arith.constant 63 : i32
    %and3A_374 = vector.broadcast %and3A_373 : i32 to vector<16xi32>
    %and3A_375 = arith.andi %get3A_363, %and3A_374 : vector<16xi32>
    %add3A_376 = arith.constant 25000 : i32
    %add3A_377 = vector.broadcast %add3A_376 : i32 to vector<16xi32>
    %add3A_378 = arith.addi %add3A_377, %and3A_375 : vector<16xi32>
    %select_n3A_379 = arith.select %or3A_372, %add3A_378, %sub3A_365 : vector<16xi1>, vector<16xi32>
    %swap3A_380 = arith.constant 0 : index
    %swap3A_381 = tpu.vector_load %arg13[%swap3A_380] {strides = array<i32>} : memref<48xi32, #tpu.memory_space<vmem>>, vector<16xi32>,
    %swap3A_382 = vector.shape_cast %swap3A_381 : vector<16xi32> to vector<16xi32>
    %swap3A_383 = vector.shape_cast %select_n3A_379 : vector<16xi32> to vector<16xi32>
    tpu.vector_store %arg13[%swap3A_380], %swap3A_383 {strides = array<i32>} : memref<48xi32, #tpu.memory_space<vmem>>, vector<16xi32>,
    %get3A_384 = arith.constant 16 : index
    %get3A_385 = tpu.vector_load %arg9[%get3A_384] {strides = array<i32>} : memref<112xi32, #tpu.memory_space<vmem>>, vector<16xi32>,
    %get3A_386 = vector.shape_cast %get3A_385 : vector<16xi32> to vector<16xi32>
    %sub3A_387 = vector.broadcast %mul3A_2 : i32 to vector<16xi32>
    %sub3A_388 = arith.subi %get3A_386, %sub3A_387 : vector<16xi32>
    %lt3A_389 = arith.constant 0 : i32
    %lt3A_390 = vector.broadcast %lt3A_389 : i32 to vector<16xi32>
    %lt3A_391 = arith.cmpi slt, %sub3A_388, %lt3A_390 : vector<16xi32>
    %ge3A_392 = arith.constant 25000 : i32
    %ge3A_393 = vector.broadcast %ge3A_392 : i32 to vector<16xi32>
    %ge3A_394 = arith.cmpi sge, %sub3A_388, %ge3A_393 : vector<16xi32>
    %or3A_395 = arith.ori %lt3A_391, %ge3A_394 : vector<16xi1>
    %and3A_396 = arith.constant 63 : i32
    %and3A_397 = vector.broadcast %and3A_396 : i32 to vector<16xi32>
    %and3A_398 = arith.andi %get3A_386, %and3A_397 : vector<16xi32>
    %add3A_399 = arith.constant 25000 : i32
    %add3A_400 = vector.broadcast %add3A_399 : i32 to vector<16xi32>
    %add3A_401 = arith.addi %add3A_400, %and3A_398 : vector<16xi32>
    %select_n3A_402 = arith.select %or3A_395, %add3A_401, %sub3A_388 : vector<16xi1>, vector<16xi32>
    %swap3A_403 = arith.constant 16 : index
    %swap3A_404 = tpu.vector_load %arg13[%swap3A_403] {strides = array<i32>} : memref<48xi32, #tpu.memory_space<vmem>>, vector<16xi32>,
    %swap3A_405 = vector.shape_cast %swap3A_404 : vector<16xi32> to vector<16xi32>
    %swap3A_406 = vector.shape_cast %select_n3A_402 : vector<16xi32> to vector<16xi32>
    tpu.vector_store %arg13[%swap3A_403], %swap3A_406 {strides = array<i32>} : memref<48xi32, #tpu.memory_space<vmem>>, vector<16xi32>,
    %get3A_407 = arith.constant 32 : index
    %get3A_408 = tpu.vector_load %arg9[%get3A_407] {strides = array<i32>} : memref<112xi32, #tpu.memory_space<vmem>>, vector<16xi32>,
    %get3A_409 = vector.shape_cast %get3A_408 : vector<16xi32> to vector<16xi32>
    %sub3A_410 = vector.broadcast %mul3A_2 : i32 to vector<16xi32>
    %sub3A_411 = arith.subi %get3A_409, %sub3A_410 : vector<16xi32>
    %lt3A_412 = arith.constant 0 : i32
    %lt3A_413 = vector.broadcast %lt3A_412 : i32 to vector<16xi32>
    %lt3A_414 = arith.cmpi slt, %sub3A_411, %lt3A_413 : vector<16xi32>
    %ge3A_415 = arith.constant 25000 : i32
    %ge3A_416 = vector.broadcast %ge3A_415 : i32 to vector<16xi32>
    %ge3A_417 = arith.cmpi sge, %sub3A_411, %ge3A_416 : vector<16xi32>
    %or3A_418 = arith.ori %lt3A_414, %ge3A_417 : vector<16xi1>
    %and3A_419 = arith.constant 63 : i32
    %and3A_420 = vector.broadcast %and3A_419 : i32 to vector<16xi32>
    %and3A_421 = arith.andi %get3A_409, %and3A_420 : vector<16xi32>
    %add3A_422 = arith.constant 25000 : i32
    %add3A_423 = vector.broadcast %add3A_422 : i32 to vector<16xi32>
    %add3A_424 = arith.addi %add3A_423, %and3A_421 : vector<16xi32>
    %select_n3A_425 = arith.select %or3A_418, %add3A_424, %sub3A_411 : vector<16xi1>, vector<16xi32>
    %swap3A_426 = arith.constant 32 : index
    %swap3A_427 = tpu.vector_load %arg13[%swap3A_426] {strides = array<i32>} : memref<48xi32, #tpu.memory_space<vmem>>, vector<16xi32>,
    %swap3A_428 = vector.shape_cast %swap3A_427 : vector<16xi32> to vector<16xi32>
    %swap3A_429 = vector.shape_cast %select_n3A_425 : vector<16xi32> to vector<16xi32>
    tpu.vector_store %arg13[%swap3A_426], %swap3A_429 {strides = array<i32>} : memref<48xi32, #tpu.memory_space<vmem>>, vector<16xi32>,
    "tpu.region"() ({
      %run_scoped3A = tpu.sem_alloc : memref<!tpu.dma_semaphore, #tpu.memory_space<semaphore_mem>>
      %dma_start3A_438 = arith.constant 0 : i32
      %dma_start3A_439 = arith.constant 0 : i32
      %dma_start3A_440 = tpu.memref_slice %arg7[%dma_start3A_438, %dma_start3A_439] : memref<112x72xf32, #tpu.memory_space<vmem>> -> memref<48x72xf32, #tpu.memory_space<vmem>>
      %dma_start3A_441 = arith.constant 0 : i32
      %dma_start3A_442 = arith.constant 0 : i32
      %dma_start3A_443 = tpu.memref_slice %arg6[%dma_start3A_441, %dma_start3A_442] : memref<25088x72xf32, #tpu.memory_space<vmem_shared>> -> memref<25088x72xf32, #tpu.memory_space<vmem_shared>>
      tpu.enqueue_indirect_dma source(%dma_start3A_440 : memref<48x72xf32, #tpu.memory_space<vmem>>) target(%dma_start3A_443 : memref<25088x72xf32, #tpu.memory_space<vmem_shared>>) offsets(%arg13 : memref<48xi32, #tpu.memory_space<vmem>>) semaphore(%run_scoped3A : memref<!tpu.dma_semaphore, #tpu.memory_space<semaphore_mem>>) {add = true}
      %dma_wait3A_444 = arith.constant 0 : i32
      %dma_wait3A_445 = arith.constant 0 : i32
      %dma_wait3A_446 = tpu.memref_slice %arg7[%dma_wait3A_444, %dma_wait3A_445] : memref<112x72xf32, #tpu.memory_space<vmem>> -> memref<48x72xf32, #tpu.memory_space<vmem>>
      %dma_wait3A_447 = arith.constant 0 : i32
      %dma_wait3A_448 = arith.constant 0 : i32
      %dma_wait3A_449 = tpu.memref_slice %arg6[%dma_wait3A_447, %dma_wait3A_448] : memref<25088x72xf32, #tpu.memory_space<vmem_shared>> -> memref<25088x72xf32, #tpu.memory_space<vmem_shared>>
      tpu.wait_indirect_dma semaphore(%run_scoped3A : memref<!tpu.dma_semaphore, #tpu.memory_space<semaphore_mem>>) src(%dma_wait3A_446 : memref<48x72xf32, #tpu.memory_space<vmem>>) dst(%dma_wait3A_449 : memref<25088x72xf32, #tpu.memory_space<vmem_shared>>)
      tpu.yield
    }) : () -> ()
    %barrier3A_430 = arith.constant 0 : index
    tpu.barrier barrier_id(%barrier3A_430)
    %mul3A_431 = arith.constant 1560 : i32
    %mul3A_432 = arith.muli %arg1, %mul3A_431 : i32
    %mul3A_433 = arith.constant 25000 : i32
    %mul3A_434 = arith.muli %arg0, %mul3A_433 : i32
    %add3A_435 = arith.addi %mul3A_434, %mul3A_432 : i32
    "tpu.region"() ({
      %run_scoped3A = tpu.sem_alloc : memref<!tpu.dma_semaphore, #tpu.memory_space<semaphore_mem>>
      %dma_start3A_438 = arith.constant 0 : i32
      %dma_start3A_439 = tpu.memref_slice %arg5[%add3A_435, %dma_start3A_438] : memref<50000x72xf32, #tpu.memory_space<hbm>> -> memref<1560x72xf32, #tpu.memory_space<hbm>>
      %dma_start3A_440 = arith.constant 0 : i32
      %dma_start3A_441 = tpu.memref_slice %arg6[%mul3A_432, %dma_start3A_440] : memref<25088x72xf32, #tpu.memory_space<vmem_shared>> -> memref<1560x72xf32, #tpu.memory_space<vmem_shared>>
      tpu.enqueue_dma source(%dma_start3A_441 : memref<1560x72xf32, #tpu.memory_space<vmem_shared>>) target(%dma_start3A_439 : memref<1560x72xf32, #tpu.memory_space<hbm>>) target_semaphore(%run_scoped3A : memref<!tpu.dma_semaphore, #tpu.memory_space<semaphore_mem>>)
      %dma_wait3A_442 = arith.constant 0 : i32
      %dma_wait3A_443 = tpu.memref_slice %arg5[%add3A_435, %dma_wait3A_442] : memref<50000x72xf32, #tpu.memory_space<hbm>> -> memref<1560x72xf32, #tpu.memory_space<hbm>>
      %dma_wait3A_444 = arith.constant 0 : i32
      %dma_wait3A_445 = tpu.memref_slice %arg6[%mul3A_432, %dma_wait3A_444] : memref<25088x72xf32, #tpu.memory_space<vmem_shared>> -> memref<1560x72xf32, #tpu.memory_space<vmem_shared>>
      tpu.wait_dma2 semaphore(%run_scoped3A : memref<!tpu.dma_semaphore, #tpu.memory_space<semaphore_mem>>) src(%dma_wait3A_445 : memref<1560x72xf32, #tpu.memory_space<vmem_shared>>) dst(%dma_wait3A_443 : memref<1560x72xf32, #tpu.memory_space<hbm>>)
      tpu.yield
    }) : () -> ()
    %eq3A = arith.constant 15 : i32
    %eq3A_436 = arith.cmpi eq, %arg1, %eq3A : i32
    %convert_element_type3A = arith.extui %eq3A_436 : i1 to i32
    %cond3A = arith.constant 0 : i32
    %cond3A_437 = arith.cmpi ne, %convert_element_type3A, %cond3A : i32
    scf.if %cond3A_437 {
      %mul3A_438 = arith.constant 25000 : i32
      %mul3A_439 = arith.muli %arg0, %mul3A_438 : i32
      %add3A_440 = arith.constant 24960 : i32
      %add3A_441 = arith.addi %mul3A_439, %add3A_440 : i32
      "tpu.region"() ({
        %run_scoped3A = tpu.sem_alloc : memref<!tpu.dma_semaphore, #tpu.memory_space<semaphore_mem>>
        %dma_start3A_442 = arith.constant 0 : i32
        %dma_start3A_443 = tpu.memref_slice %arg5[%add3A_441, %dma_start3A_442] : memref<50000x72xf32, #tpu.memory_space<hbm>> -> memref<40x72xf32, #tpu.memory_space<hbm>>
        %dma_start3A_444 = arith.constant 24960 : i32
        %dma_start3A_445 = arith.constant 0 : i32
        %dma_start3A_446 = tpu.memref_slice %arg6[%dma_start3A_444, %dma_start3A_445] : memref<25088x72xf32, #tpu.memory_space<vmem_shared>> -> memref<40x72xf32, #tpu.memory_space<vmem_shared>>
        tpu.enqueue_dma source(%dma_start3A_446 : memref<40x72xf32, #tpu.memory_space<vmem_shared>>) target(%dma_start3A_443 : memref<40x72xf32, #tpu.memory_space<hbm>>) target_semaphore(%run_scoped3A : memref<!tpu.dma_semaphore, #tpu.memory_space<semaphore_mem>>)
        %dma_wait3A_447 = arith.constant 0 : i32
        %dma_wait3A_448 = tpu.memref_slice %arg5[%add3A_441, %dma_wait3A_447] : memref<50000x72xf32, #tpu.memory_space<hbm>> -> memref<40x72xf32, #tpu.memory_space<hbm>>
        %dma_wait3A_449 = arith.constant 24960 : i32
        %dma_wait3A_450 = arith.constant 0 : i32
        %dma_wait3A_451 = tpu.memref_slice %arg6[%dma_wait3A_449, %dma_wait3A_450] : memref<25088x72xf32, #tpu.memory_space<vmem_shared>> -> memref<40x72xf32, #tpu.memory_space<vmem_shared>>
        tpu.wait_dma2 semaphore(%run_scoped3A : memref<!tpu.dma_semaphore, #tpu.memory_space<semaphore_mem>>) src(%dma_wait3A_451 : memref<40x72xf32, #tpu.memory_space<vmem_shared>>) dst(%dma_wait3A_448 : memref<40x72xf32, #tpu.memory_space<hbm>>)
        tpu.yield
      }) : () -> ()
    } else {
    }
    return
  }
}

module attributes {stable_mosaic.version = 14 : i64} {
  func.func @_edge_body(%arg0: i32, %arg1: memref<64x3200xf32, #tpu.memory_space<vmem>>, %arg2: memref<9x3200xf32, #tpu.memory_space<vmem>>, %arg3: memref<1x1x3200xf32, #tpu.memory_space<vmem>>, %arg4: memref<64x72xf32, #tpu.memory_space<vmem>>, %arg5: memref<64x64xf32, #tpu.memory_space<vmem>>, %arg6: memref<24x64xf32, #tpu.memory_space<vmem>>, %arg7: memref<72x24xf32, #tpu.memory_space<vmem>>, %arg8: memref<72x9xf32, #tpu.memory_space<vmem>>, %arg9: memref<64x1xf32, #tpu.memory_space<vmem>>, %arg10: memref<64x1xf32, #tpu.memory_space<vmem>>, %arg11: memref<24x1xf32, #tpu.memory_space<vmem>>, %arg12: memref<8x1xf32, #tpu.memory_space<vmem>>, %arg13: memref<64x3200xf32, #tpu.memory_space<vmem>>, %arg14: memref<72x3200xf32, #tpu.memory_space<vmem>>, %arg15: memref<3200x128xf32, #tpu.memory_space<vmem>>, %arg16: memref<1x1x3200xf32, #tpu.memory_space<vmem>>) attributes {dimension_semantics = [#tpu.dimension_semantics<arbitrary>], iteration_bounds = array<i64: 250>, scalar_prefetch = 0 : i64, scratch_operands = 0 : i64, tpu.core_type = #tpu.core_type<tc>, window_params = [{transform_indices = @transform_0, window_bounds = array<i64: 64, 3200>}, {transform_indices = @transform_1, window_bounds = array<i64: 9, 3200>}, {transform_indices = @transform_2, window_bounds = array<i64: 1, 1, 3200>}, {pipeline_mode = #tpu.pipeline_mode<synchronous>, transform_indices = @transform_3, window_bounds = array<i64: 64, 72>}, {pipeline_mode = #tpu.pipeline_mode<synchronous>, transform_indices = @transform_4, window_bounds = array<i64: 64, 64>}, {pipeline_mode = #tpu.pipeline_mode<synchronous>, transform_indices = @transform_5, window_bounds = array<i64: 24, 64>}, {pipeline_mode = #tpu.pipeline_mode<synchronous>, transform_indices = @transform_6, window_bounds = array<i64: 72, 24>}, {pipeline_mode = #tpu.pipeline_mode<synchronous>, transform_indices = @transform_7, window_bounds = array<i64: 72, 9>}, {pipeline_mode = #tpu.pipeline_mode<synchronous>, transform_indices = @transform_8, window_bounds = array<i64: 64, 1>}, {pipeline_mode = #tpu.pipeline_mode<synchronous>, transform_indices = @transform_9, window_bounds = array<i64: 64, 1>}, {pipeline_mode = #tpu.pipeline_mode<synchronous>, transform_indices = @transform_10, window_bounds = array<i64: 24, 1>}, {pipeline_mode = #tpu.pipeline_mode<synchronous>, transform_indices = @transform_11, window_bounds = array<i64: 8, 1>}, {transform_indices = @transform_12, window_bounds = array<i64: 64, 3200>}, {transform_indices = @transform_13, window_bounds = array<i64: 72, 3200>}, {transform_indices = @transform_14, window_bounds = array<i64: 3200, 128>}, {transform_indices = @transform_15, window_bounds = array<i64: 1, 1, 3200>}]} {
    %get3A = arith.constant 0 : index
    %get3A_0 = arith.constant 0 : index
    %get3A_1 = arith.constant 0 : index
    %get3A_2 = vector.load %arg3[%get3A, %get3A_0, %get3A_1] : memref<1x1x3200xf32, #tpu.memory_space<vmem>>, vector<1x1x3200xf32>
    %get3A_3 = vector.shape_cast %get3A_2 : vector<1x1x3200xf32> to vector<1x3200xf32>
    %get3A_4 = arith.constant 0 : index
    %get3A_5 = arith.constant 0 : index
    %get3A_6 = vector.load %arg12[%get3A_4, %get3A_5] : memref<8x1xf32, #tpu.memory_space<vmem>>, vector<8x1xf32>
    %mul3A = arith.constant 0.166666672 : f32
    %mul3A_7 = vector.broadcast %mul3A : f32 to vector<1x3200xf32>
    %mul3A_8 = arith.mulf %get3A_3, %mul3A_7 : vector<1x3200xf32>
    %mul3A_9 = vector.broadcast %get3A_6 : vector<8x1xf32> to vector<8x3200xf32>
    %mul3A_10 = vector.broadcast %mul3A_8 : vector<1x3200xf32> to vector<8x3200xf32>
    %mul3A_11 = arith.mulf %mul3A_9, %mul3A_10 : vector<8x3200xf32>
    %mul3A_12 = arith.constant 0.159154937 : f32
    %mul3A_13 = vector.broadcast %mul3A_12 : f32 to vector<8x3200xf32>
    %mul3A_14 = arith.mulf %mul3A_11, %mul3A_13 : vector<8x3200xf32>
    %add3A = arith.constant 5.000000e-01 : f32
    %add3A_15 = vector.broadcast %add3A : f32 to vector<8x3200xf32>
    %add3A_16 = arith.addf %mul3A_14, %add3A_15 : vector<8x3200xf32>
    %floor3A = math.floor %add3A_16 : vector<8x3200xf32>
    %sub3A = arith.subf %mul3A_14, %floor3A : vector<8x3200xf32>
    %mul3A_17 = arith.mulf %sub3A, %sub3A : vector<8x3200xf32>
    %mul3A_18 = arith.constant 3.21912026 : f32
    %mul3A_19 = vector.broadcast %mul3A_18 : f32 to vector<8x3200xf32>
    %mul3A_20 = arith.mulf %mul3A_19, %mul3A_17 : vector<8x3200xf32>
    %add3A_21 = arith.constant -14.8834362 : f32
    %add3A_22 = vector.broadcast %add3A_21 : f32 to vector<8x3200xf32>
    %add3A_23 = arith.addf %mul3A_20, %add3A_22 : vector<8x3200xf32>
    %mul3A_24 = arith.mulf %add3A_23, %mul3A_17 : vector<8x3200xf32>
    %add3A_25 = arith.constant 42.0204926 : f32
    %add3A_26 = vector.broadcast %add3A_25 : f32 to vector<8x3200xf32>
    %add3A_27 = arith.addf %mul3A_24, %add3A_26 : vector<8x3200xf32>
    %mul3A_28 = arith.mulf %add3A_27, %mul3A_17 : vector<8x3200xf32>
    %add3A_29 = arith.constant -76.7021561 : f32
    %add3A_30 = vector.broadcast %add3A_29 : f32 to vector<8x3200xf32>
    %add3A_31 = arith.addf %mul3A_28, %add3A_30 : vector<8x3200xf32>
    %mul3A_32 = arith.mulf %add3A_31, %mul3A_17 : vector<8x3200xf32>
    %add3A_33 = arith.constant 81.6050644 : f32
    %add3A_34 = vector.broadcast %add3A_33 : f32 to vector<8x3200xf32>
    %add3A_35 = arith.addf %mul3A_32, %add3A_34 : vector<8x3200xf32>
    %mul3A_36 = arith.mulf %add3A_35, %mul3A_17 : vector<8x3200xf32>
    %add3A_37 = arith.constant -41.3416977 : f32
    %add3A_38 = vector.broadcast %add3A_37 : f32 to vector<8x3200xf32>
    %add3A_39 = arith.addf %mul3A_36, %add3A_38 : vector<8x3200xf32>
    %mul3A_40 = arith.mulf %add3A_39, %mul3A_17 : vector<8x3200xf32>
    %add3A_41 = arith.constant 6.28318548 : f32
    %add3A_42 = vector.broadcast %add3A_41 : f32 to vector<8x3200xf32>
    %add3A_43 = arith.addf %mul3A_40, %add3A_42 : vector<8x3200xf32>
    %mul3A_44 = arith.mulf %add3A_43, %sub3A : vector<8x3200xf32>
    %div3A = arith.constant 0.577350259 : f32
    %div3A_45 = vector.broadcast %div3A : f32 to vector<1x3200xf32>
    %div3A_46 = arith.divf %div3A_45, %get3A_3 : vector<1x3200xf32>
    %mul3A_47 = vector.broadcast %div3A_46 : vector<1x3200xf32> to vector<8x3200xf32>
    %mul3A_48 = arith.mulf %mul3A_44, %mul3A_47 : vector<8x3200xf32>
    %mul3A_49 = arith.constant 0.166666672 : f32
    %mul3A_50 = vector.broadcast %mul3A_49 : f32 to vector<1x3200xf32>
    %mul3A_51 = arith.mulf %get3A_3, %mul3A_50 : vector<1x3200xf32>
    %mul3A_52 = arith.mulf %mul3A_51, %mul3A_51 : vector<1x3200xf32>
    %mul3A_53 = arith.mulf %mul3A_52, %mul3A_51 : vector<1x3200xf32>
    %mul3A_54 = arith.mulf %mul3A_53, %mul3A_53 : vector<1x3200xf32>
    %mul3A_55 = arith.mulf %mul3A_54, %mul3A_51 : vector<1x3200xf32>
    %mul3A_56 = arith.mulf %mul3A_55, %mul3A_51 : vector<1x3200xf32>
    %mul3A_57 = arith.constant 2.800000e+01 : f32
    %mul3A_58 = vector.broadcast %mul3A_57 : f32 to vector<1x3200xf32>
    %mul3A_59 = arith.mulf %mul3A_58, %mul3A_54 : vector<1x3200xf32>
    %sub3A_60 = arith.constant 1.000000e+00 : f32
    %sub3A_61 = vector.broadcast %sub3A_60 : f32 to vector<1x3200xf32>
    %sub3A_62 = arith.subf %sub3A_61, %mul3A_59 : vector<1x3200xf32>
    %mul3A_63 = arith.constant 4.800000e+01 : f32
    %mul3A_64 = vector.broadcast %mul3A_63 : f32 to vector<1x3200xf32>
    %mul3A_65 = arith.mulf %mul3A_64, %mul3A_55 : vector<1x3200xf32>
    %add3A_66 = arith.addf %sub3A_62, %mul3A_65 : vector<1x3200xf32>
    %mul3A_67 = arith.constant 2.100000e+01 : f32
    %mul3A_68 = vector.broadcast %mul3A_67 : f32 to vector<1x3200xf32>
    %mul3A_69 = arith.mulf %mul3A_68, %mul3A_56 : vector<1x3200xf32>
    %sub3A_70 = arith.subf %add3A_66, %mul3A_69 : vector<1x3200xf32>
    %lt3A = arith.constant 1.000000e+00 : f32
    %lt3A_71 = vector.broadcast %lt3A : f32 to vector<1x3200xf32>
    %lt3A_72 = arith.cmpf olt, %mul3A_51, %lt3A_71 : vector<1x3200xf32>
    %jit3A = arith.constant 0.000000e+00 : f32
    %broadcast_in_dim3A = vector.broadcast %jit3A : f32 to vector<1x3200xf32>
    %select_n3A = arith.select %lt3A_72, %sub3A_70, %broadcast_in_dim3A : vector<1x3200xi1>, vector<1x3200xf32>
    %gt3A = arith.constant 0.000000e+00 : f32
    %gt3A_73 = vector.broadcast %gt3A : f32 to vector<1x3200xf32>
    %gt3A_74 = arith.cmpf ogt, %select_n3A, %gt3A_73 : vector<1x3200xf32>
    %get3A_75 = arith.constant 0 : index
    %get3A_76 = arith.constant 0 : index
    %get3A_77 = vector.load %arg4[%get3A_75, %get3A_76] : memref<64x72xf32, #tpu.memory_space<vmem>>, vector<64x72xf32>
    %slice3A = vector.extract_strided_slice %get3A_77 {offsets = [0, 0], sizes = [64, 64], strides = [1, 1]} : vector<64x72xf32> to vector<64x64xf32>
    %get3A_78 = arith.constant 0 : index
    %get3A_79 = arith.constant 0 : index
    %get3A_80 = vector.load %arg1[%get3A_78, %get3A_79] : memref<64x3200xf32, #tpu.memory_space<vmem>>, vector<64x3200xf32>
    %dot_general3A = arith.constant dense<0.000000e+00> : vector<64x3200xf32>
    %dot_general3A_81 = tpu.matmul %slice3A, %get3A_80, %dot_general3A {dimension_numbers = #tpu.dot_dimension_numbers<[1], [0], [0], [1], [0, 0, 1, 1], [], []>, transpose_lhs_hint = false} : vector<64x64xf32>, vector<64x3200xf32>, vector<64x3200xf32> -> vector<64x3200xf32>
    %slice3A_82 = vector.extract_strided_slice %get3A_77 {offsets = [0, 64], sizes = [64, 8], strides = [1, 1]} : vector<64x72xf32> to vector<64x8xf32>
    %dot_general3A_83 = arith.constant dense<0.000000e+00> : vector<64x3200xf32>
    %dot_general3A_84 = tpu.matmul %slice3A_82, %mul3A_48, %dot_general3A_83 {dimension_numbers = #tpu.dot_dimension_numbers<[1], [0], [0], [1], [0, 0, 1, 1], [], []>, transpose_lhs_hint = false} : vector<64x8xf32>, vector<8x3200xf32>, vector<64x3200xf32> -> vector<64x3200xf32>
    %add3A_85 = arith.addf %dot_general3A_81, %dot_general3A_84 : vector<64x3200xf32>
    %get3A_86 = arith.constant 0 : index
    %get3A_87 = arith.constant 0 : index
    %get3A_88 = vector.load %arg9[%get3A_86, %get3A_87] : memref<64x1xf32, #tpu.memory_space<vmem>>, vector<64x1xf32>
    %add3A_89 = vector.broadcast %get3A_88 : vector<64x1xf32> to vector<64x3200xf32>
    %add3A_90 = arith.addf %add3A_85, %add3A_89 : vector<64x3200xf32>
    %logistic3A = arith.negf %add3A_90 : vector<64x3200xf32>
    %logistic3A_91 = math.exp %logistic3A : vector<64x3200xf32>
    %logistic3A_92 = arith.constant 1.000000e+00 : f32
    %logistic3A_93 = vector.broadcast %logistic3A_92 : f32 to vector<64x3200xf32>
    %logistic3A_94 = arith.addf %logistic3A_93, %logistic3A_91 : vector<64x3200xf32>
    %logistic3A_95 = arith.divf %logistic3A_93, %logistic3A_94 : vector<64x3200xf32>
    %mul3A_96 = arith.mulf %add3A_90, %logistic3A_95 : vector<64x3200xf32>
    %get3A_97 = arith.constant 0 : index
    %get3A_98 = arith.constant 0 : index
    %get3A_99 = vector.load %arg5[%get3A_97, %get3A_98] : memref<64x64xf32, #tpu.memory_space<vmem>>, vector<64x64xf32>
    %dot_general3A_100 = arith.constant dense<0.000000e+00> : vector<64x3200xf32>
    %dot_general3A_101 = tpu.matmul %get3A_99, %mul3A_96, %dot_general3A_100 {dimension_numbers = #tpu.dot_dimension_numbers<[1], [0], [0], [1], [0, 0, 1, 1], [], []>, transpose_lhs_hint = false} : vector<64x64xf32>, vector<64x3200xf32>, vector<64x3200xf32> -> vector<64x3200xf32>
    %get3A_102 = arith.constant 0 : index
    %get3A_103 = arith.constant 0 : index
    %get3A_104 = vector.load %arg10[%get3A_102, %get3A_103] : memref<64x1xf32, #tpu.memory_space<vmem>>, vector<64x1xf32>
    %add3A_105 = vector.broadcast %get3A_104 : vector<64x1xf32> to vector<64x3200xf32>
    %add3A_106 = arith.addf %dot_general3A_101, %add3A_105 : vector<64x3200xf32>
    %mul3A_107 = vector.broadcast %select_n3A : vector<1x3200xf32> to vector<64x3200xf32>
    %mul3A_108 = arith.mulf %mul3A_107, %add3A_106 : vector<64x3200xf32>
    %jit3A_109 = arith.constant 0.000000e+00 : f32
    %broadcast_in_dim3A_110 = vector.shape_cast %gt3A_74 : vector<1x3200xi1> to vector<1x3200xi1>
    %broadcast_in_dim3A_111 = vector.broadcast %broadcast_in_dim3A_110 : vector<1x3200xi1> to vector<64x3200xi1>
    %broadcast_in_dim3A_112 = vector.broadcast %jit3A_109 : f32 to vector<64x3200xf32>
    %select_n3A_113 = arith.select %broadcast_in_dim3A_111, %mul3A_108, %broadcast_in_dim3A_112 : vector<64x3200xi1>, vector<64x3200xf32>
    %swap3A = arith.constant 0 : index
    %swap3A_114 = arith.constant 0 : index
    %swap3A_115 = vector.load %arg13[%swap3A, %swap3A_114] : memref<64x3200xf32, #tpu.memory_space<vmem>>, vector<64x3200xf32>
    tpu.vector_store %arg13[%swap3A, %swap3A_114], %select_n3A_113 {strides = array<i32>} : memref<64x3200xf32, #tpu.memory_space<vmem>>, vector<64x3200xf32>,
    %get3A_116 = arith.constant 0 : index
    %get3A_117 = arith.constant 0 : index
    %get3A_118 = vector.load %arg6[%get3A_116, %get3A_117] : memref<24x64xf32, #tpu.memory_space<vmem>>, vector<24x64xf32>
    %dot_general3A_119 = arith.constant dense<0.000000e+00> : vector<24x3200xf32>
    %dot_general3A_120 = tpu.matmul %get3A_118, %select_n3A_113, %dot_general3A_119 {dimension_numbers = #tpu.dot_dimension_numbers<[1], [0], [0], [1], [0, 0, 1, 1], [], []>, transpose_lhs_hint = false} : vector<24x64xf32>, vector<64x3200xf32>, vector<24x3200xf32> -> vector<24x3200xf32>
    %get3A_121 = arith.constant 0 : index
    %get3A_122 = arith.constant 0 : index
    %get3A_123 = vector.load %arg11[%get3A_121, %get3A_122] : memref<24x1xf32, #tpu.memory_space<vmem>>, vector<24x1xf32>
    %add3A_124 = vector.broadcast %get3A_123 : vector<24x1xf32> to vector<24x3200xf32>
    %add3A_125 = arith.addf %dot_general3A_120, %add3A_124 : vector<24x3200xf32>
    %get3A_126 = arith.constant 0 : index
    %get3A_127 = arith.constant 0 : index
    %get3A_128 = vector.load %arg7[%get3A_126, %get3A_127] : memref<72x24xf32, #tpu.memory_space<vmem>>, vector<72x24xf32>
    %dot_general3A_129 = arith.constant dense<0.000000e+00> : vector<72x3200xf32>
    %dot_general3A_130 = tpu.matmul %get3A_128, %add3A_125, %dot_general3A_129 {dimension_numbers = #tpu.dot_dimension_numbers<[1], [0], [0], [1], [0, 0, 1, 1], [], []>, transpose_lhs_hint = false} : vector<72x24xf32>, vector<24x3200xf32>, vector<72x3200xf32> -> vector<72x3200xf32>
    %get3A_131 = arith.constant 0 : index
    %get3A_132 = arith.constant 0 : index
    %get3A_133 = vector.load %arg8[%get3A_131, %get3A_132] : memref<72x9xf32, #tpu.memory_space<vmem>>, vector<72x9xf32>
    %get3A_134 = arith.constant 0 : index
    %get3A_135 = arith.constant 0 : index
    %get3A_136 = vector.load %arg2[%get3A_134, %get3A_135] : memref<9x3200xf32, #tpu.memory_space<vmem>>, vector<9x3200xf32>
    %dot_general3A_137 = arith.constant dense<0.000000e+00> : vector<72x3200xf32>
    %dot_general3A_138 = tpu.matmul %get3A_133, %get3A_136, %dot_general3A_137 {dimension_numbers = #tpu.dot_dimension_numbers<[1], [0], [0], [1], [0, 0, 1, 1], [], []>, transpose_lhs_hint = false} : vector<72x9xf32>, vector<9x3200xf32>, vector<72x3200xf32> -> vector<72x3200xf32>
    %mul3A_139 = arith.mulf %dot_general3A_130, %dot_general3A_138 : vector<72x3200xf32>
    %jit3A_140 = arith.constant 0.000000e+00 : f32
    %broadcast_in_dim3A_141 = vector.shape_cast %gt3A_74 : vector<1x3200xi1> to vector<1x3200xi1>
    %broadcast_in_dim3A_142 = vector.broadcast %broadcast_in_dim3A_141 : vector<1x3200xi1> to vector<72x3200xi1>
    %broadcast_in_dim3A_143 = vector.broadcast %jit3A_140 : f32 to vector<72x3200xf32>
    %select_n3A_144 = arith.select %broadcast_in_dim3A_142, %mul3A_139, %broadcast_in_dim3A_143 : vector<72x3200xi1>, vector<72x3200xf32>
    %swap3A_145 = arith.constant 0 : index
    %swap3A_146 = arith.constant 0 : index
    %swap3A_147 = vector.load %arg14[%swap3A_145, %swap3A_146] : memref<72x3200xf32, #tpu.memory_space<vmem>>, vector<72x3200xf32>
    tpu.vector_store %arg14[%swap3A_145, %swap3A_146], %select_n3A_144 {strides = array<i32>} : memref<72x3200xf32, #tpu.memory_space<vmem>>, vector<72x3200xf32>,
    %transpose3A = tpu.transpose %select_n3A_144, [1, 0] : vector<72x3200xf32> -> vector<3200x72xf32>
    %swap3A_148 = arith.constant 0 : index
    %swap3A_149 = arith.constant 0 : index
    %swap3A_150 = vector.load %arg15[%swap3A_148, %swap3A_149] : memref<3200x128xf32, #tpu.memory_space<vmem>>, vector<3200x72xf32>
    tpu.vector_store %arg15[%swap3A_148, %swap3A_149], %transpose3A {strides = array<i32>} : memref<3200x128xf32, #tpu.memory_space<vmem>>, vector<3200x72xf32>,
    %broadcast_in_dim3A_151 = vector.shape_cast %select_n3A : vector<1x3200xf32> to vector<1x1x3200xf32>
    %swap3A_152 = arith.constant 0 : index
    %swap3A_153 = arith.constant 0 : index
    %swap3A_154 = arith.constant 0 : index
    %swap3A_155 = vector.load %arg16[%swap3A_152, %swap3A_153, %swap3A_154] : memref<1x1x3200xf32, #tpu.memory_space<vmem>>, vector<1x1x3200xf32>
    tpu.vector_store %arg16[%swap3A_152, %swap3A_153, %swap3A_154], %broadcast_in_dim3A_151 {strides = array<i32>} : memref<1x1x3200xf32, #tpu.memory_space<vmem>>, vector<1x1x3200xf32>,
    return
  }
  func.func @transform_0(%arg0: i32) -> (i32, i32) {
    %c0_i32 = arith.constant 0 : i32
    %c0_i32_0 = arith.constant 0 : i32
    return %c0_i32, %arg0 : i32, i32
  }
  func.func @transform_1(%arg0: i32) -> (i32, i32) {
    %c0_i32 = arith.constant 0 : i32
    %c0_i32_0 = arith.constant 0 : i32
    return %c0_i32, %arg0 : i32, i32
  }
  func.func @transform_2(%arg0: i32) -> (i32, i32, i32) {
    %c0_i32 = arith.constant 0 : i32
    %c0_i32_0 = arith.constant 0 : i32
    %c0_i32_1 = arith.constant 0 : i32
    return %arg0, %c0_i32, %c0_i32_0 : i32, i32, i32
  }
  func.func @transform_3(%arg0: i32) -> (i32, i32) {
    %c0_i32 = arith.constant 0 : i32
    %c0_i32_0 = arith.constant 0 : i32
    %c0_i32_1 = arith.constant 0 : i32
    return %c0_i32, %c0_i32_0 : i32, i32
  }
  func.func @transform_4(%arg0: i32) -> (i32, i32) {
    %c0_i32 = arith.constant 0 : i32
    %c0_i32_0 = arith.constant 0 : i32
    %c0_i32_1 = arith.constant 0 : i32
    return %c0_i32, %c0_i32_0 : i32, i32
  }
  func.func @transform_5(%arg0: i32) -> (i32, i32) {
    %c0_i32 = arith.constant 0 : i32
    %c0_i32_0 = arith.constant 0 : i32
    %c0_i32_1 = arith.constant 0 : i32
    return %c0_i32, %c0_i32_0 : i32, i32
  }
  func.func @transform_6(%arg0: i32) -> (i32, i32) {
    %c0_i32 = arith.constant 0 : i32
    %c0_i32_0 = arith.constant 0 : i32
    %c0_i32_1 = arith.constant 0 : i32
    return %c0_i32, %c0_i32_0 : i32, i32
  }
  func.func @transform_7(%arg0: i32) -> (i32, i32) {
    %c0_i32 = arith.constant 0 : i32
    %c0_i32_0 = arith.constant 0 : i32
    %c0_i32_1 = arith.constant 0 : i32
    return %c0_i32, %c0_i32_0 : i32, i32
  }
  func.func @transform_8(%arg0: i32) -> (i32, i32) {
    %c0_i32 = arith.constant 0 : i32
    %c0_i32_0 = arith.constant 0 : i32
    %c0_i32_1 = arith.constant 0 : i32
    return %c0_i32, %c0_i32_0 : i32, i32
  }
  func.func @transform_9(%arg0: i32) -> (i32, i32) {
    %c0_i32 = arith.constant 0 : i32
    %c0_i32_0 = arith.constant 0 : i32
    %c0_i32_1 = arith.constant 0 : i32
    return %c0_i32, %c0_i32_0 : i32, i32
  }
  func.func @transform_10(%arg0: i32) -> (i32, i32) {
    %c0_i32 = arith.constant 0 : i32
    %c0_i32_0 = arith.constant 0 : i32
    %c0_i32_1 = arith.constant 0 : i32
    return %c0_i32, %c0_i32_0 : i32, i32
  }
  func.func @transform_11(%arg0: i32) -> (i32, i32) {
    %c0_i32 = arith.constant 0 : i32
    %c0_i32_0 = arith.constant 0 : i32
    %c0_i32_1 = arith.constant 0 : i32
    return %c0_i32, %c0_i32_0 : i32, i32
  }
  func.func @transform_12(%arg0: i32) -> (i32, i32) {
    %c0_i32 = arith.constant 0 : i32
    %c0_i32_0 = arith.constant 0 : i32
    return %c0_i32, %arg0 : i32, i32
  }
  func.func @transform_13(%arg0: i32) -> (i32, i32) {
    %c0_i32 = arith.constant 0 : i32
    %c0_i32_0 = arith.constant 0 : i32
    return %c0_i32, %arg0 : i32, i32
  }
  func.func @transform_14(%arg0: i32) -> (i32, i32) {
    %c0_i32 = arith.constant 0 : i32
    %c0_i32_0 = arith.constant 0 : i32
    return %arg0, %c0_i32 : i32, i32
  }
  func.func @transform_15(%arg0: i32) -> (i32, i32, i32) {
    %c0_i32 = arith.constant 0 : i32
    %c0_i32_0 = arith.constant 0 : i32
    %c0_i32_1 = arith.constant 0 : i32
    return %arg0, %c0_i32, %c0_i32_0 : i32, i32, i32
  }
}

module attributes {stable_mosaic.version = 14 : i64} {
  func.func @_ln_body(%arg0: i32, %arg1: memref<2000x72xf32, #tpu.memory_space<vmem>>, %arg2: memref<1x8xf32, #tpu.memory_space<vmem>>, %arg3: memref<1x8xf32, #tpu.memory_space<vmem>>, %arg4: memref<1x24xf32, #tpu.memory_space<vmem>>, %arg5: memref<1x40xf32, #tpu.memory_space<vmem>>, %arg6: memref<2000x72xf32, #tpu.memory_space<vmem>>) attributes {dimension_semantics = [#tpu.dimension_semantics<arbitrary>], iteration_bounds = array<i64: 25>, scalar_prefetch = 0 : i64, scratch_operands = 0 : i64, tpu.core_type = #tpu.core_type<tc>, window_params = [{transform_indices = @transform_0, window_bounds = array<i64: 2000, 72>}, {pipeline_mode = #tpu.pipeline_mode<synchronous>, transform_indices = @transform_1, window_bounds = array<i64: 1, 8>}, {pipeline_mode = #tpu.pipeline_mode<synchronous>, transform_indices = @transform_2, window_bounds = array<i64: 1, 8>}, {pipeline_mode = #tpu.pipeline_mode<synchronous>, transform_indices = @transform_3, window_bounds = array<i64: 1, 24>}, {pipeline_mode = #tpu.pipeline_mode<synchronous>, transform_indices = @transform_4, window_bounds = array<i64: 1, 40>}, {transform_indices = @transform_5, window_bounds = array<i64: 2000, 72>}]} {
    %get3A = arith.constant 0 : index
    %get3A_0 = arith.constant 0 : index
    %get3A_1 = vector.load %arg1[%get3A, %get3A_0] : memref<2000x72xf32, #tpu.memory_space<vmem>>, vector<2000x72xf32>
    %mul3A = arith.constant 2.500000e-01 : f32
    %mul3A_2 = vector.broadcast %mul3A : f32 to vector<2000x72xf32>
    %mul3A_3 = arith.mulf %get3A_1, %mul3A_2 : vector<2000x72xf32>
    %slice3A = vector.extract_strided_slice %mul3A_3 {offsets = [0, 0], sizes = [2000, 8], strides = [1, 1]} : vector<2000x72xf32> to vector<2000x8xf32>
    %reduce_sum3A = arith.constant dense<0.000000e+00> : vector<2000xf32>
    %reduce_sum3A_4 = vector.multi_reduction <add>, %slice3A, %reduce_sum3A [1] : vector<2000x8xf32> to vector<2000xf32>
    %broadcast_in_dim3A = vector.shape_cast %reduce_sum3A_4 : vector<2000xf32> to vector<2000x1xf32>
    %div3A = arith.constant 8.000000e+00 : f32
    %div3A_5 = vector.broadcast %div3A : f32 to vector<2000x1xf32>
    %div3A_6 = arith.divf %broadcast_in_dim3A, %div3A_5 : vector<2000x1xf32>
    %sub3A = vector.broadcast %div3A_6 : vector<2000x1xf32> to vector<2000x8xf32>
    %sub3A_7 = arith.subf %slice3A, %sub3A : vector<2000x8xf32>
    %integer_pow3A = arith.mulf %sub3A_7, %sub3A_7 : vector<2000x8xf32>
    %reduce_sum3A_8 = arith.constant dense<0.000000e+00> : vector<2000xf32>
    %reduce_sum3A_9 = vector.multi_reduction <add>, %integer_pow3A, %reduce_sum3A_8 [1] : vector<2000x8xf32> to vector<2000xf32>
    %broadcast_in_dim3A_10 = vector.shape_cast %reduce_sum3A_9 : vector<2000xf32> to vector<2000x1xf32>
    %div3A_11 = arith.constant 8.000000e+00 : f32
    %div3A_12 = vector.broadcast %div3A_11 : f32 to vector<2000x1xf32>
    %div3A_13 = arith.divf %broadcast_in_dim3A_10, %div3A_12 : vector<2000x1xf32>
    %sub3A_14 = vector.broadcast %div3A_6 : vector<2000x1xf32> to vector<2000x8xf32>
    %sub3A_15 = arith.subf %slice3A, %sub3A_14 : vector<2000x8xf32>
    %add3A = arith.constant 9.99999993E-9 : f32
    %add3A_16 = vector.broadcast %add3A : f32 to vector<2000x1xf32>
    %add3A_17 = arith.addf %div3A_13, %add3A_16 : vector<2000x1xf32>
    %rsqrt3A = math.rsqrt %add3A_17 : vector<2000x1xf32>
    %mul3A_18 = vector.broadcast %rsqrt3A : vector<2000x1xf32> to vector<2000x8xf32>
    %mul3A_19 = arith.mulf %sub3A_15, %mul3A_18 : vector<2000x8xf32>
    %get3A_20 = arith.constant 0 : index
    %get3A_21 = arith.constant 0 : index
    %get3A_22 = vector.load %arg2[%get3A_20, %get3A_21] : memref<1x8xf32, #tpu.memory_space<vmem>>, vector<1x8xf32>
    %mul3A_23 = vector.broadcast %get3A_22 : vector<1x8xf32> to vector<2000x8xf32>
    %mul3A_24 = arith.mulf %mul3A_19, %mul3A_23 : vector<2000x8xf32>
    %get3A_25 = arith.constant 0 : index
    %get3A_26 = arith.constant 0 : index
    %get3A_27 = vector.load %arg3[%get3A_25, %get3A_26] : memref<1x8xf32, #tpu.memory_space<vmem>>, vector<1x8xf32>
    %add3A_28 = vector.broadcast %get3A_27 : vector<1x8xf32> to vector<2000x8xf32>
    %add3A_29 = arith.addf %mul3A_24, %add3A_28 : vector<2000x8xf32>
    %slice3A_30 = vector.extract_strided_slice %mul3A_3 {offsets = [0, 8], sizes = [2000, 24], strides = [1, 1]} : vector<2000x72xf32> to vector<2000x24xf32>
    %mul3A_31 = arith.mulf %slice3A_30, %slice3A_30 : vector<2000x24xf32>
    %reduce_sum3A_32 = arith.constant dense<0.000000e+00> : vector<2000xf32>
    %reduce_sum3A_33 = vector.multi_reduction <add>, %mul3A_31, %reduce_sum3A_32 [1] : vector<2000x24xf32> to vector<2000xf32>
    %broadcast_in_dim3A_34 = vector.shape_cast %reduce_sum3A_33 : vector<2000xf32> to vector<2000x1xf32>
    %div3A_35 = arith.constant 2.400000e+01 : f32
    %div3A_36 = vector.broadcast %div3A_35 : f32 to vector<2000x1xf32>
    %div3A_37 = arith.divf %broadcast_in_dim3A_34, %div3A_36 : vector<2000x1xf32>
    %add3A_38 = arith.constant 9.99999993E-9 : f32
    %add3A_39 = vector.broadcast %add3A_38 : f32 to vector<2000x1xf32>
    %add3A_40 = arith.addf %div3A_37, %add3A_39 : vector<2000x1xf32>
    %rsqrt3A_41 = math.rsqrt %add3A_40 : vector<2000x1xf32>
    %mul3A_42 = vector.broadcast %rsqrt3A_41 : vector<2000x1xf32> to vector<2000x24xf32>
    %mul3A_43 = arith.mulf %slice3A_30, %mul3A_42 : vector<2000x24xf32>
    %get3A_44 = arith.constant 0 : index
    %get3A_45 = arith.constant 0 : index
    %get3A_46 = vector.load %arg4[%get3A_44, %get3A_45] : memref<1x24xf32, #tpu.memory_space<vmem>>, vector<1x24xf32>
    %mul3A_47 = vector.broadcast %get3A_46 : vector<1x24xf32> to vector<2000x24xf32>
    %mul3A_48 = arith.mulf %mul3A_43, %mul3A_47 : vector<2000x24xf32>
    %slice3A_49 = vector.extract_strided_slice %mul3A_3 {offsets = [0, 32], sizes = [2000, 40], strides = [1, 1]} : vector<2000x72xf32> to vector<2000x40xf32>
    %mul3A_50 = arith.mulf %slice3A_49, %slice3A_49 : vector<2000x40xf32>
    %reduce_sum3A_51 = arith.constant dense<0.000000e+00> : vector<2000xf32>
    %reduce_sum3A_52 = vector.multi_reduction <add>, %mul3A_50, %reduce_sum3A_51 [1] : vector<2000x40xf32> to vector<2000xf32>
    %broadcast_in_dim3A_53 = vector.shape_cast %reduce_sum3A_52 : vector<2000xf32> to vector<2000x1xf32>
    %div3A_54 = arith.constant 4.000000e+01 : f32
    %div3A_55 = vector.broadcast %div3A_54 : f32 to vector<2000x1xf32>
    %div3A_56 = arith.divf %broadcast_in_dim3A_53, %div3A_55 : vector<2000x1xf32>
    %add3A_57 = arith.constant 9.99999993E-9 : f32
    %add3A_58 = vector.broadcast %add3A_57 : f32 to vector<2000x1xf32>
    %add3A_59 = arith.addf %div3A_56, %add3A_58 : vector<2000x1xf32>
    %rsqrt3A_60 = math.rsqrt %add3A_59 : vector<2000x1xf32>
    %mul3A_61 = vector.broadcast %rsqrt3A_60 : vector<2000x1xf32> to vector<2000x40xf32>
    %mul3A_62 = arith.mulf %slice3A_49, %mul3A_61 : vector<2000x40xf32>
    %get3A_63 = arith.constant 0 : index
    %get3A_64 = arith.constant 0 : index
    %get3A_65 = vector.load %arg5[%get3A_63, %get3A_64] : memref<1x40xf32, #tpu.memory_space<vmem>>, vector<1x40xf32>
    %mul3A_66 = vector.broadcast %get3A_65 : vector<1x40xf32> to vector<2000x40xf32>
    %mul3A_67 = arith.mulf %mul3A_62, %mul3A_66 : vector<2000x40xf32>
    %concatenate3A = tpu.concatenate %add3A_29, %mul3A_48, %mul3A_67 in 1 : vector<2000x8xf32>, vector<2000x24xf32>, vector<2000x40xf32> -> vector<2000x72xf32>
    %swap3A = arith.constant 0 : index
    %swap3A_68 = arith.constant 0 : index
    %swap3A_69 = vector.load %arg6[%swap3A, %swap3A_68] : memref<2000x72xf32, #tpu.memory_space<vmem>>, vector<2000x72xf32>
    tpu.vector_store %arg6[%swap3A, %swap3A_68], %concatenate3A {strides = array<i32>} : memref<2000x72xf32, #tpu.memory_space<vmem>>, vector<2000x72xf32>,
    return
  }
  func.func @transform_0(%arg0: i32) -> (i32, i32) {
    %c0_i32 = arith.constant 0 : i32
    %c0_i32_0 = arith.constant 0 : i32
    return %arg0, %c0_i32 : i32, i32
  }
  func.func @transform_1(%arg0: i32) -> (i32, i32) {
    %c0_i32 = arith.constant 0 : i32
    %c0_i32_0 = arith.constant 0 : i32
    %c0_i32_1 = arith.constant 0 : i32
    return %c0_i32, %c0_i32_0 : i32, i32
  }
  func.func @transform_2(%arg0: i32) -> (i32, i32) {
    %c0_i32 = arith.constant 0 : i32
    %c0_i32_0 = arith.constant 0 : i32
    %c0_i32_1 = arith.constant 0 : i32
    return %c0_i32, %c0_i32_0 : i32, i32
  }
  func.func @transform_3(%arg0: i32) -> (i32, i32) {
    %c0_i32 = arith.constant 0 : i32
    %c0_i32_0 = arith.constant 0 : i32
    %c0_i32_1 = arith.constant 0 : i32
    return %c0_i32, %c0_i32_0 : i32, i32
  }
  func.func @transform_4(%arg0: i32) -> (i32, i32) {
    %c0_i32 = arith.constant 0 : i32
    %c0_i32_0 = arith.constant 0 : i32
    %c0_i32_1 = arith.constant 0 : i32
    return %c0_i32, %c0_i32_0 : i32, i32
  }
  func.func @transform_5(%arg0: i32) -> (i32, i32) {
    %c0_i32 = arith.constant 0 : i32
    %c0_i32_0 = arith.constant 0 : i32
    return %arg0, %c0_i32 : i32, i32
  }
}

</mosaic_0001>

<sc_bundles>
// kernel: kernel.5.cloned.1.call-start
scs
__scs_entry_jumppad:
0x0: {  	(pc) =	sbr.rel $0x88, $3  }
0x1: {  	(tag) =	ssettag $0x0;
	lr =	simm.s32 $0x1  }
0x2: {  	[smem:$0x3F92] =	sst lr;
	_ =	strace $0xD0000000  }
0x3: {  	_ = 	snop  }
0x4: {  	_ = 	snop  }
0x5: {  	_ = 	snop  }
0x6: {  	_ = 	snop  }
0x7: {  	_ = 	snop  }
__scs_overlays_trampoline_lowered:
0x8: {  	[smem:$0x3FA1] =	sst s0  }
0x9: {  	[smem:$0x3FA2] =	sst s1  }
0xa: {  	[smem:$0x3FA3] =	sst s2  }
0xb: {  	[smem:$0x3FA4] =	sst s3  }
0xc: {  	[smem:$0x3FA5] =	sst s4  }
0xd: {  	[smem:$0x3FA6] =	sst s5  }
0xe: {  	[smem:$0x3FA7] =	sst s6  }
0xf: {  	[smem:$0x3FA8] =	sst s7  }
0x10: {  	[smem:$0x3FA9] =	sst s8  }
0x11: {  	[smem:$0x3FAA] =	sst s9;
	s0 =	simm.s32 @!p0 $0x0  }
0x12: {  	s1 =	sld [smem:$0x3F90];
	s0 =	simm.s32 @p0 $0x1  }
0x13: {  	[smem:$0x3FAB] =	sst s0;
	s0 =	simm.s32 @!p1 $0x0  }
0x14: {  	s2 =	sld [smem:$0x3F8F];
	s0 =	simm.s32 @p1 $0x1  }
0x15: {  	[smem:$0x3FAC] =	sst s0;
	s0 =	simm.s32 @!p2 $0x0  }
0x16: {  	s3 =	sld [smem:$0x3FDB];
	s0 =	simm.s32 @p2 $0x1  }
0x17: {  	s4 =	simm.s32 $0x1BF5;
	[smem:$0x3FAE] =	sst s0  }
0x18: {  	s0 =	sld [smem:$0x3F91];
	_ =	swait.ge [sflag:s4], $0x0  }
0x19: {  	s7 =	sld [smem:$0x3F92]  }
0x1a: {  	s8 =	sadd.s32 $0xFFFFE003, lr  }
0x1b: {  	s9 =	sadd.s32 $0xFFFFFEF7, lr;
	s5 =	simm.s32 $0xFFFFFFFF;
	p2 =	slt.u32 s8, $0xFFFFF086  }
0x1c: {  	p1 =	slt.u32 s9, $0xF7A;
	s5 =	simm.s32 @!p2 $0x0  }
0x1d: {  	s5 =	simm.s32 @p1 $0x1;
	p0 =	seq.s32 s7, s2  }
0x1e: {  	s7 =	smul.u32 @!p0 $0xF7A, s2;
	p2 =	seq.s32 @!p0 s5, $0x0  }
0x1f: {  	s9 =	smul.u32 $0xF7A, s1;
	s8 =	simm.s32 @!p0 $0x1BF5;
	p2 =	por !p2, p0  }
0x20: {  	[sflag:s8] =	ssyncset.s32 @!p0 $0xFFFFF086;
	s6 =	sadd.s32 @!p0 s3, s7;
	s7 =	simm.s32 @!p0 $0x108  }
0x21: {  	s3 =	sadd.s32 s3, s9;
	s6 =	sadd.s32 @!p0 $0x88, s6;
	s7 =	simm.s32 @p2 $0x1082  }
0x22: {  	[simem:s7], [sflag:s8] =	dma.local @!p0 [hbm:s6], $0xF7A  }
0x23: {  	s9 =	sor.u32 $0xD0000000, s2;
	s6 =	simm.s32 $0x108;
	_ =	swait.ge @!p0 [sflag:s8], $0x0  }
0x24: {  	s3 =	sadd.s32 $0x88, s3;
	s6 =	simm.s32 @!p1 $0x1082;
	[sflag:s4] =	ssyncset.s32 $0xFFFFF086  }
0x25: {  	[simem:s6], [sflag:s4] =	dma.local [hbm:s3], $0xF7A  }
0x26: {  	[smem:$0x3F92] =	sst s1;
	(tag) =	ssettag s2;
	_ =	strace s9  }
0x27: {  	s1 =	sld [smem:$0x3FA2]  }
0x28: {  	s2 =	sld [smem:$0x3FA3]  }
0x29: {  	s4 =	sld [smem:$0x3FA5]  }
0x2a: {  	p0 =	seq.s32 s5, $0x0;
	s5 =	sld [smem:$0x3FA6]  }
0x2b: {  	s6 =	sld [smem:$0x3FA7]  }
0x2c: {  	s7 =	sld [smem:$0x3FA8]  }
0x2d: {  	s3 =	simm.s32 $0x108;
	s8 =	sld [smem:$0x3FA9]  }
0x2e: {  	s3 =	simm.s32 @!p0 $0x1082;
	s9 =	sld [smem:$0x3FAA]  }
0x2f: {  	lr =	sadd.s32 s0, s3;
	s0 =	sld [smem:$0x3FA1]  }
0x30: {  	s3 =	sld [smem:$0x3FA4]  }
0x31: {  	[smem:$0x3FAD] =	sst s10  }
0x32: {  	s10 =	sld [smem:$0x3FAB];
	_ =	sdelay $0x3  }
0x33: {  	p0 =	seq.s32 s10, $0x1;
	s10 =	sld [smem:$0x3FAD];
	_ =	sdelay $0x3  }
0x34: {  	[smem:$0x3FAD] =	sst s10  }
0x35: {  	s10 =	sld [smem:$0x3FAC];
	_ =	sdelay $0x3  }
0x36: {  	p1 =	seq.s32 s10, $0x1;
	s10 =	sld [smem:$0x3FAD];
	_ =	sdelay $0x3  }
0x37: {  	[smem:$0x3FAD] =	sst s10  }
0x38: {  	s10 =	sld [smem:$0x3FAE]  }
0x39: {  	_ = 	snop;
	(pc) =	sbr.ind lr, $3  }
0x3a: {  	_ = 	snop  }
0x3b: {  	_ = 	snop  }
0x3c: {  	p2 =	seq.s32 s10, $0x1;
	s10 =	sld [smem:$0x3FAD]  }
0x3d: {  	_ =	shalt  }
0x3e: {  	_ =	shalt  }
0x3f: {  	_ =	shalt  }
0x40: {  	_ =	shalt  }
0x41: {  	_ =	shalt  }
0x42: {  	_ =	shalt  }
0x43: {  	_ =	shalt  }
0x44: {  	_ =	shalt  }
0x45: {  	_ =	shalt  }
0x46: {  	_ =	shalt  }
0x47: {  	_ =	shalt  }
0x48: {  	_ =	shalt  }
0x49: {  	_ =	shalt  }
0x4a: {  	_ =	shalt  }
0x4b: {  	_ =	shalt  }
0x4c: {  	_ =	shalt  }
0x4d: {  	_ =	shalt  }
0x4e: {  	_ =	shalt  }
0x4f: {  	_ =	shalt  }
0x50: {  	_ =	shalt  }
0x51: {  	_ =	shalt  }
0x52: {  	_ =	shalt  }
0x53: {  	_ =	shalt  }
0x54: {  	_ =	shalt  }
0x55: {  	_ =	shalt  }
0x56: {  	_ =	shalt  }
0x57: {  	_ =	shalt  }
0x58: {  	_ =	shalt  }
0x59: {  	_ =	shalt  }
0x5a: {  	_ =	shalt  }
0x5b: {  	_ =	shalt  }
0x5c: {  	_ =	shalt  }
0x5d: {  	_ =	shalt  }
0x5e: {  	_ =	shalt  }
0x5f: {  	_ =	shalt  }
0x60: {  	_ =	shalt  }
0x61: {  	_ =	shalt  }
0x62: {  	_ =	shalt  }
0x63: {  	_ =	shalt  }
0x64: {  	_ =	shalt  }
0x65: {  	_ =	shalt  }
0x66: {  	_ =	shalt  }
0x67: {  	_ =	shalt  }
0x68: {  	_ =	shalt  }
0x69: {  	_ =	shalt  }
0x6a: {  	_ =	shalt  }
0x6b: {  	_ =	shalt  }
0x6c: {  	_ =	shalt  }
0x6d: {  	_ =	shalt  }
0x6e: {  	_ =	shalt  }
0x6f: {  	_ =	shalt  }
0x70: {  	_ =	shalt  }
0x71: {  	_ =	shalt  }
0x72: {  	_ =	shalt  }
0x73: {  	_ =	shalt  }
0x74: {  	_ =	shalt  }
0x75: {  	_ =	shalt  }
0x76: {  	_ =	shalt  }
0x77: {  	_ =	shalt  }
0x78: {  	_ =	shalt  }
0x79: {  	_ =	shalt  }
0x7a: {  	_ =	shalt  }
0x7b: {  	_ =	shalt  }
0x7c: {  	_ =	shalt  }
0x7d: {  	_ =	shalt  }
0x7e: {  	_ =	shalt  }
0x7f: {  	_ =	shalt  }
0x80: {  	_ =	shalt  }
0x81: {  	_ =	shalt  }
0x82: {  	_ =	shalt  }
0x83: {  	_ =	shalt  }
0x84: {  	_ =	shalt  }
0x85: {  	_ =	shalt  }
0x86: {  	_ =	shalt  }
0x87: {  	_ =	shalt  }
.Lfunc_end0:
.L_simem_size_0:
called_computation_lowered:
.L_overlay_start_0:
0x88: {  	s2 =	sld [smem:$0x3FD9]  }
0x89: {  	s3 =	sld [smem:$0x3FFE];
	_ =	sdelay $0x1  }
0x8a: {  	s1 =	srdreg.scid  }
0x8b: {  	s0 =	sand.u32 $0x1, s1  }
0x8c: {  	s14 =	sshll.u32 s0, $0xA;
	s2 =	sadd.s32 s3, s2  }
0x8d: {  	s2 =	sadd.s32 s2, s14  }
0x8e: {  	[smem:$0x3FB9] =	sst s2  }
0x8f: {  	_ = 	snop  }
0x90: {  	s2 =	sld [smem:$0x3FD0];
	_ =	sdelay $0x2  }
0x91: {  	s15 =	simm.s32 $0xA;
	s4 =	simm.s32 $0x10  }
0x92: {  	[smem:s4], [sflag:s15] =	dma.local [hbm:s2], $0x1  }
0x93: {  	_ =	swait.eq [sflag:s15], $0x1  }
0x94: {  	[sflag:s15] =	ssyncset.done $0x0  }
0x95: {  	[sflag:s15] =	ssyncadd.s32 $0xFFFFFFFF  }
0x96: {  	s16 =	sld [smem:$0x11];
	(tm) =	ssettm $0x1  }
0x97: {  	s17 =	sld [smem:$0x3FFB];
	_ =	sdelay $0x3  }
0x98: {  	_ =	strace s17  }
0x99: {  	s3 =	sld [smem:$0x3FFC];
	_ =	sdelay $0x3  }
0x9a: {  	_ =	strace s3  }
0x9b: {  	s3 =	sld [smem:$0x3FFD];
	_ =	sdelay $0x3  }
0x9c: {  	_ =	strace s3  }
0x9d: {  	_ =	strace $0x8FFFFFFF  }
0x9e: {  	s18 =	sld [smem:$0x3FDB];
	_ =	sdelay $0x1  }
0x9f: {  	s19 =	simm.s32 $_scs_section_size  }
0xa0: {  	s5 =	simm.s32 $_size__tile_overlayer_lowered;
	s6 =	simm.s32 $_tile_overlayer_lowered  }
0xa1: {  	s22 =	simm.s32 $0x1BFF;
	s21 =	sshll.u32 s6, $0x1;
	s3 =	sadd.s32 s19, s18  }
0xa2: {  	s7 =	simm.s32 $0x0;
	s20 =	sshll.u32 s5, $0x1;
	s5 =	sadd.s32 s21, s3  }
0xa3: {  	[timem:s7], [sflag:s22] =	dma.local [hbm:s5], s20  }
0xa4: {  	_ =	swait.ge [sflag:s22], s20  }
0xa5: {  	s4 =	ssub.s32 $0x0, s20;
	[sflag:s22] =	ssyncset.done $0x0  }
0xa6: {  	[sflag:s22] =	ssyncadd.s32 s4;
	_ =	sdelay $0x1  }
0xa7: {  	s23 =	simm.s32 $0x1B8B  }
0xa8: {  	_ =	swait.ge [sflag:s23], $0x1  }
0xa9: {  	[sflag:s23] =	ssyncset.done $0x0  }
0xaa: {  	s25 =	simm.s32 $0x1B8E;
	s24 =	sld [smem:$0x3FFE];
	[sflag:s23] =	ssyncadd.s32 $0xFFFFFFFF  }
0xab: {  	s26 =	simm.s32 $execute0_lowered;
	[smem:$0x3FD2] =	sst s25  }
0xac: {  	s5 =	sshll.u32 s26, $0x1;
	_ =	strace $0x80000046;
	[dreg:$0x1] =	wrdreg $0xFFFFFFFF  }
0xad: {  	s28 =	simm.s32 $_size_execute0_lowered;
	s3 =	sadd.s32 s3, s5;
	[dreg:$0x0] =	wrdreg $0x0  }
0xae: {  	s5 =	sshll.u32 s28, $0x1;
	[dreg:$0x2] =	wrdreg s3  }
0xaf: {  	[dreg:$0x3] =	wrdreg s5  }
0xb0: {  	[dreg:$0x4] =	wrdreg $0xC0  }
0xb1: {  	_ =	task [dreg:s7], $0x5FFFF  }
0xb2: {  	[dreg:$0x1] =	wrdreg $0xFFFFFFFF  }
0xb3: {  	[dreg:$0x0] =	wrdreg $0x60  }
0xb4: {  	[dreg:$0x2] =	wrdreg s24  }
0xb5: {  	[dreg:$0x3] =	wrdreg s16  }
0xb6: {  	[dreg:$0x4] =	wrdreg $0x0  }
0xb7: {  	[dreg:$0x5] =	wrdreg $0x9  }
0xb8: {  	_ =	task.clear_ibuf [dreg:s7], $0x6FFFF;
	_ =	strace $0x90000046  }
0xb9: {  	s29 =	simm.s32 $0x9;
	_ =	strace $0x80000048  }
0xba: {  	_ =	swait.ge [sflag:s29], $0x1  }
0xbb: {  	[sflag:s29] =	ssyncadd.s32 $0xFFFFFFFF  }
0xbc: {  	_ =	strace $0x90000048  }
0xbd: {  	_ =	sfence  }
0xbe: {  	s30 =	sld [smem:$0x0];
	_ =	sdelay $0x2  }
0xbf: {  	s31 =	sshll.u32 s1, $0xD;
	s1 =	sshrl.u32 s1, $0x2  }
0xc0: {  	s3 =	sand.u32 $0x4000, s31;
	s1 =	sadd.s32 s1, s30  }
0xc1: {  	s0 =	sor.u32 s3, s0;
	s1 =	sshll.u32 s1, $0x11  }
0xc2: {  	s0 =	sor.u32 s1, s0  }
0xc3: {  	s0 =	sadd.s32 $0x8F2B, s0  }
0xc4: {  	[sflag:s0] =	ssyncadd.remote.s32 $0x1  }
0xc5: {  	_ =	sfence.sel $0xFFFF  }
0xc6: {  	[dreg:$0x0] =	wrdreg $0xFFFFFFFF;
	(pc) =	sbr.abs _section_cstart, $3  }
0xc7: {  	[dreg:$0x1] =	wrdreg $0xFFFFFFFF  }
0xc8: {  	_ =	task.clear_ibuf [dreg:s7], $0x2FFFF;
	_ =	strace $0x9FFFFFFF  }
0xc9: {  	(tm) =	ssettm $0x7FFFFFFF  }
tec
execute0_lowered:
.L_overlay_start_1:
0x0: {  	(tag) =	ssettag $0x1  }
0x1: {  	s0 =	rddreg [dreg:$0x0]  }
0x2: {  	s13 =	rddreg [dreg:$0x1]  }
0x3: {  	s1 =	rddreg [dreg:$0x2]  }
0x4: {  	s3 =	simm.s32 $0x0;
	s4 =	srdreg.scid;
	s22 =	stileid.u32  }
0x5: {  	s28 =	simm.s32 $0x70;
	s29 =	simm.s32 $0x1F8E0;
	s5 =	smul.u32 $0x6E400, s22  }
0x6: {  	s30 =	simm.s32 $0x2;
	s31 =	simm.s32 $0x1F950;
	s9 =	smul.u32 $0xC350, s22  }
0x7: {  	[smem:$0x7FF] =	sst s3;
	s7 =	sadd.s32 $0x1A400, s0;
	s19 =	smul.u32 $0xC3500, s22  }
0x8: {  	s4 =	sand.u32 $0x1, s4;
	s14 =	sadd.s32 $0x1C00, s0;
	s12 =	smul.u32 $0x618, s22  }
0x9: {  	s0 =	sadd.s32 $0xC4F400, s0;
	s18 =	sshll.u32 s22, $0x6;
	s16 =	smul.u32 $0x6DB00, s22  }
0xa: {  	p0 =	sne.s32 s22, $0xF;
	_ =	strace $0x80000047;
	s2 =	smul.u32 $0x61A8, s4  }
0xb: {  	[dreg:$0x4] =	wrdreg s0;
	s17 =	ssub.s32 $0x2, s4;
	s4 =	smul.u32 $0x1B7740, s4  }
0xc: {  	s6 =	sshrl.u32 s17, $0x1;
	s5 =	sshrl.u32 s5, $0x2;
	s10 =	sadd.s32 $0xC2B0, s9  }
0xd: {  	s8 =	sshrl.u32 s9, $0x3;
	s21 =	sadd.s32 $0xC320, s9;
	s16 =	sshrl.u32 s16, $0x2  }
0xe: {  	s0 =	ssub.s32 s17, s6;
	s15 =	sadd.s32 s5, s1;
	s5 =	sor.u32 $0x1C03, s18  }
0xf: {  	s11 =	sshll.u32 s10, $0x4;
	s6 =	sadd.s32 s7, s19;
	s8 =	sadd.s32 s14, s8  }
0x10: {  	s10 =	sshrl.u32 s10, $0x3;
	s23 =	sshll.u32 s21, $0x4;
	s12 =	sadd.s32 s12, s2  }
0x11: {  	s4 =	sshrl.u32 s4, $0x3;
	s17 =	smul.u32 $0x186A, s22;
	s25 =	sadd.s32 s16, s1  }
0x12: {  	s18 =	simm.s32 $0x48;
	s19 =	simm.s32 $0x80;
	s22 =	simm.s32 $0x1D880  }
0x13: {  	[dreg:$0x5] =	wrdreg s8;
	s20 =	sadd.s32 s7, s11;
	s9 =	sadd.s32 s14, s10  }
0x14: {  	s11 =	sshrl.u32 s21, $0x3;
	s10 =	sadd.s32 s7, s23;
	s24 =	smul.u32 $0x9, s12  }
0x15: {  	s4 =	sadd.s32 s13, s4;
	s16 =	sshrl.u32 s15, $0x3;
	s21 =	simm.s32 $0x1F800  }
0x16: {  	s23 =	sshrl.u32 s25, $0x3;
	s25 =	simm.s32 $0x1F870;
	[dreg:$0x6] =	wrdreg s20  }
0x17: {  	s11 =	sadd.s32 s14, s11;
	s26 =	sadd.s32 s17, s14;
	s14 =	smax.u32 s0, $0x1  }
0x18: {  	s17 =	simm.s32 $0x3;
	s20 =	simm.s32 $0x1B900;
	s0 =	simm.s32 $0x0  }
0x19: {  	s12 =	sadd.s32 s13, s24;
	s13 =	sadd.s32 $0x36D80, s4;
	s24 =	sadd.s32 $0x1B6C00, s1  }
0x1a: {  	v0 =	vmov s2;
	s4 =	sadd.s32 $0x1C, s26;
	s26 =	simm.s32 $0x1;
	s24 =	sshrl.u32 @!p0 s24, $0x3  }
.LBB2_1:
0x1b: {  	s2 =	rddreg [dreg:$0x4]  }
0x1c: {  	[spmem:s16], [sflag:s5] =	dma.local [hbm:s2], $0x3720  }
0x1d: {  	_ =	swait.ge [sflag:s17], $0x3720  }
0x1e: {  	[sflag:s17] =	ssyncset.done $0x0  }
0x1f: {  	[sflag:s17] =	ssyncadd.s32 $0xFFFFC8E0  }
0x20: {  	[bflag:$0x0] =	sbarrier.arrive $0xFFFF  }
0x21: {  	[tilespmem:s20], [sflag:$0x1] =	stream.strided.gather [hbm4b:s6+s18], $0x1F80, s19, s18, $0x38;
	[tilespmem:$0x1F9F0] =	vst v63  }
0x22: {  	s8 =	sadd.s32 $0x0, s6;
	s7 =	rddreg [dreg:$0x5]  }
0x23: {  	[tilespmem:s21], [sflag:$0x1] =	stream.linear.gather [hbm4b:s7+s3], $0x70, $0x38;
	[tilespmem:$0x1F9F0] =	vst v63  }
0x24: {  	s7 =	sadd.s32 $0x700, s8  }
0x25: {  	[tilespmem:s22], [sflag:$0x2] =	stream.strided.gather [hbm4b:s7+s18], $0x1F80, s19, s18, $0x38;
	[tilespmem:$0x1F9F0] =	vst v63  }
0x26: {  	s15 =	sadd.s32 $0xFFFFFFF2, s4  }
0x27: {  	[tilespmem:s25], [sflag:$0x2] =	stream.linear.gather [hbm4b:s15+s3], $0x70, $0x38;
	[tilespmem:$0x1F9F0] =	vst v63  }
0x28: {  	_ =	swait.ge [sflag:s26], $0x1F80  }
0x29: {  	[sflag:s26] =	ssyncset.done $0x0  }
0x2a: {  	[sflag:s26] =	ssyncadd.s32 $0xFFFFE080  }
0x2b: {  	_ =	swait.ge [sflag:s26], $0x70  }
0x2c: {  	[sflag:s26] =	ssyncset.done $0x0  }
0x2d: {  	[sflag:s26] =	ssyncadd.s32 $0xFFFFFF90  }
0x2e: {  	v1 =	vld [tilespmem:$0x1F860]  }
0x2f: {  	v2 =	vld [tilespmem:$0x1F850]  }
0x30: {  	v3 =	vld [tilespmem:$0x1F830]  }
0x31: {  	v4 =	vld [tilespmem:$0x1F800]  }
0x32: {  	v5 =	vld [tilespmem:$0x1F820]  }
0x33: {  	v6 =	vld [tilespmem:$0x1F810];
	_ =	sdelay $0x1  }
0x34: {  	v7 =	vsub.s32 v1, v0  }
0x35: {  	v1 =	vand.u32 $0x3F, v1;
	v8 =	vsub.s32 v2, v0;
	v2 =	vand.u32 $0x3F, v2  }
0x36: {  	v10 =	vsub.s32 v3, v0;
	v3 =	vand.u32 $0x3F, v3;
	v60 =	vand.u32 $0x3F, v4  }
0x37: {  	v11 =	vand.u32 $0x3F, v5;
	v61 =	vsub.s32 v6, v0;
	v4 =	vsub.s32 v4, v0  }
0x38: {  	v6 =	vand.u32 $0x3F, v6;
	v5 =	vsub.s32 v5, v0;
	vm0 =	vgt.u32 v7, $0x61A7  }
0x39: {  	v9 =	vld [tilespmem:$0x1F840];
	vm1 =	vgt.u32 v8, $0x61A7;
	v2 =	vadd.s32 $0x61A8, v2;
	v1 =	vadd.s32 $0x61A8, v1  }
0x3a: {  	vm11 =	vgt.u32 v10, $0x61A7;
	vm12 =	vgt.u32 v61, $0x61A7;
	v2 =	vsel vm1, v2, v8  }
0x3b: {  	v6 =	vadd.s32 $0x61A8, v6;
	v3 =	vadd.s32 $0x61A8, v3;
	v1 =	vsel vm0, v1, v7;
	[tilespmem:$0x1F930] =	vst v2  }
0x3c: {  	vm13 =	vgt.u32 v4, $0x61A7;
	v62 =	vadd.s32 $0x61A8, v11;
	v6 =	vsel vm12, v6, v61;
	[tilespmem:$0x1F940] =	vst v1  }
0x3d: {  	vm14 =	vgt.u32 v5, $0x61A7;
	v8 =	vadd.s32 $0x61A8, v60;
	v3 =	vsel vm11, v3, v10;
	[tilespmem:$0x1F8F0] =	vst v6  }
0x3e: {  	v63 =	vsel vm14, v62, v5;
	v2 =	vand.u32 $0x3F, v9;
	v1 =	vsub.s32 v9, v0;
	[tilespmem:$0x1F910] =	vst v3  }
0x3f: {  	v3 =	vsel vm13, v8, v4;
	[tilespmem:$0x1F900] =	vst v63;
	vm15 =	vgt.u32 v1, $0x61A7;
	v2 =	vadd.s32 $0x61A8, v2  }
0x40: {  	[tilespmem:$0x1F8E0] =	vst v3;
	v1 =	vsel vm15, v2, v1  }
0x41: {  	[tilespmem:$0x1F920] =	vst v1  }
0x42: {  	[spmem:s1] =	stream.indirect.scatter.add.f32 [tilespmem:s20], [sflag:$0x3], $0x48, s29, s28, $0xb8;
	[tilespmem:$0x1F9F0] =	vst v63  }
0x43: {  	_ =	swait.ge [sflag:s17], $0x1F80  }
0x44: {  	[sflag:s17] =	ssyncset.done $0x0  }
0x45: {  	s2 =	sadd.s32 $0xE00, s8;
	[sflag:s17] =	ssyncadd.s32 $0xFFFFE080  }
0x46: {  	[tilespmem:s20], [sflag:$0x1] =	stream.strided.gather [hbm4b:s2+s18], $0x1F80, s19, s18, $0x38;
	[tilespmem:$0x1F9F0] =	vst v63  }
0x47: {  	_ = 	snop  }
0x48: {  	[tilespmem:s21], [sflag:$0x1] =	stream.linear.gather [hbm4b:s4+s3], $0x70, $0x38;
	[tilespmem:$0x1F9F0] =	vst v63  }
0x49: {  	_ =	swait.ge [sflag:s30], $0x1F80  }
0x4a: {  	[sflag:s30] =	ssyncset.done $0x0  }
0x4b: {  	[sflag:s30] =	ssyncadd.s32 $0xFFFFE080  }
0x4c: {  	_ =	swait.ge [sflag:s30], $0x70  }
0x4d: {  	[sflag:s30] =	ssyncset.done $0x0  }
0x4e: {  	[sflag:s30] =	ssyncadd.s32 $0xFFFFFF90  }
0x4f: {  	s15 =	smov.u32 s4;
	s2 =	simm.s32 $0xE00;
	v1 =	vld [tilespmem:$0x1F8C0]  }
.LBB2_2:
0x50: {  	p1 =	sne.s32 s2, $0xC1600  }
0x51: {  	v2 =	vld [tilespmem:$0x1F880];
	s15 =	sadd.s32 $0x1C, s15;
	s7 =	smov.u32 s2;
	s2 =	sadd.s32 $0xE00, s2  }
0x52: {  	v3 =	vld [tilespmem:$0x1F890]  }
0x53: {  	v4 =	vld [tilespmem:$0x1F8A0]  }
0x54: {  	v5 =	vld [tilespmem:$0x1F8B0]  }
0x55: {  	v6 =	vld [tilespmem:$0x1F870];
	v7 =	vsub.s32 v1, v0;
	v1 =	vand.u32 $0x3F, v1  }
0x56: {  	v8 =	vsub.s32 v2, v0;
	v2 =	vand.u32 $0x3F, v2;
	vm0 =	vgt.u32 v7, $0x61A7;
	v9 =	vld [tilespmem:$0x1F8D0]  }
0x57: {  	v2 =	vadd.s32 $0x61A8, v2;
	v10 =	vsub.s32 v3, v0;
	v3 =	vand.u32 $0x3F, v3  }
0x58: {  	vm1 =	vgt.u32 v10, $0x61A7;
	v11 =	vsub.s32 v4, v0;
	v4 =	vand.u32 $0x3F, v4  }
0x59: {  	v3 =	vadd.s32 $0x61A8, v3;
	v12 =	vsub.s32 v5, v0;
	v5 =	vand.u32 $0x3F, v5  }
0x5a: {  	vm2 =	vgt.u32 v11, $0x61A7;
	vm3 =	vgt.u32 v12, $0x61A7;
	v5 =	vadd.s32 $0x61A8, v5  }
0x5b: {  	v4 =	vadd.s32 $0x61A8, v4;
	v13 =	vsub.s32 v6, v0;
	v5 =	vsel vm3, v5, v12  }
0x5c: {  	v3 =	vsel vm1, v3, v10;
	v6 =	vand.u32 $0x3F, v6;
	vm3 =	vgt.u32 v8, $0x61A7;
	[tilespmem:$0x1F990] =	vst v5  }
0x5d: {  	vm1 =	vgt.u32 v13, $0x61A7;
	v5 =	vadd.s32 $0x61A8, v6;
	v2 =	vsel vm3, v2, v8;
	[tilespmem:$0x1F970] =	vst v3  }
0x5e: {  	v6 =	vand.u32 $0x3F, v9;
	v3 =	vsel vm1, v5, v13;
	v5 =	vsub.s32 v9, v0  }
0x5f: {  	vm1 =	vgt.u32 v5, $0x61A7;
	[tilespmem:$0x1F960] =	vst v2;
	v2 =	vsel vm2, v4, v11;
	v4 =	vadd.s32 $0x61A8, v6  }
0x60: {  	v1 =	vadd.s32 $0x61A8, v1;
	[tilespmem:$0x1F980] =	vst v2;
	v2 =	vsel vm1, v4, v5  }
0x61: {  	v1 =	vsel vm0, v1, v7;
	[tilespmem:$0x1F9B0] =	vst v2  }
0x62: {  	[tilespmem:$0x1F9A0] =	vst v1  }
0x63: {  	[tilespmem:$0x1F950] =	vst v3  }
0x64: {  	[spmem:s1] =	stream.indirect.scatter.add.f32 [tilespmem:s22], [sflag:$0x3], $0x48, s31, s28, $0xb8;
	[tilespmem:$0x1F9F0] =	vst v63  }
0x65: {  	_ =	swait.ge [sflag:s17], $0x1F80  }
0x66: {  	s7 =	sadd.s32 s7, s6;
	[sflag:s17] =	ssyncset.done $0x0  }
0x67: {  	s8 =	sadd.s32 $0x700, s7;
	[sflag:s17] =	ssyncadd.s32 $0xFFFFE080  }
0x68: {  	[tilespmem:s22], [sflag:$0x2] =	stream.strided.gather [hbm4b:s8+s18], $0x1F80, s19, s18, $0x38;
	[tilespmem:$0x1F9F0] =	vst v63  }
0x69: {  	s8 =	sadd.s32 $0xFFFFFFF2, s15  }
0x6a: {  	[tilespmem:s25], [sflag:$0x2] =	stream.linear.gather [hbm4b:s8+s3], $0x70, $0x38;
	[tilespmem:$0x1F9F0] =	vst v63  }
0x6b: {  	_ =	swait.ge [sflag:s26], $0x1F80  }
0x6c: {  	[sflag:s26] =	ssyncset.done $0x0  }
0x6d: {  	[sflag:s26] =	ssyncadd.s32 $0xFFFFE080  }
0x6e: {  	_ =	swait.ge [sflag:s26], $0x70  }
0x6f: {  	[sflag:s26] =	ssyncset.done $0x0  }
0x70: {  	[sflag:s26] =	ssyncadd.s32 $0xFFFFFF90  }
0x71: {  	v1 =	vld [tilespmem:$0x1F860]  }
0x72: {  	v2 =	vld [tilespmem:$0x1F850]  }
0x73: {  	v3 =	vld [tilespmem:$0x1F830]  }
0x74: {  	v4 =	vld [tilespmem:$0x1F800]  }
0x75: {  	v5 =	vld [tilespmem:$0x1F820]  }
0x76: {  	v6 =	vld [tilespmem:$0x1F810];
	v7 =	vsub.s32 v1, v0;
	v1 =	vand.u32 $0x3F, v1  }
0x77: {  	v8 =	vld [tilespmem:$0x1F840];
	v9 =	vsub.s32 v2, v0;
	v2 =	vand.u32 $0x3F, v2;
	vm0 =	vgt.u32 v7, $0x61A7  }
0x78: {  	v10 =	vsub.s32 v3, v0;
	vm1 =	vgt.u32 v9, $0x61A7;
	v2 =	vadd.s32 $0x61A8, v2  }
0x79: {  	v1 =	vadd.s32 $0x61A8, v1;
	v3 =	vand.u32 $0x3F, v3;
	v2 =	vsel vm1, v2, v9  }
0x7a: {  	v9 =	vand.u32 $0x3F, v4;
	vm1 =	vgt.u32 v10, $0x61A7;
	v11 =	vand.u32 $0x3F, v5;
	[tilespmem:$0x1F930] =	vst v2  }
0x7b: {  	v1 =	vsel vm0, v1, v7;
	v2 =	vsub.s32 v4, v0;
	v4 =	vsub.s32 v6, v0  }
0x7c: {  	v6 =	vand.u32 $0x3F, v6;
	vm0 =	vgt.u32 v4, $0x61A7;
	v7 =	vand.u32 $0x3F, v8;
	[tilespmem:$0x1F940] =	vst v1  }
0x7d: {  	v3 =	vadd.s32 $0x61A8, v3;
	v1 =	vadd.s32 $0x61A8, v6;
	v6 =	vsub.s32 v8, v0  }
0x7e: {  	v8 =	vadd.s32 $0x61A8, v9;
	v1 =	vsel vm0, v1, v4;
	v4 =	vadd.s32 $0x61A8, v11  }
0x7f: {  	v3 =	vsel vm1, v3, v10;
	vm0 =	vgt.u32 v2, $0x61A7;
	[tilespmem:$0x1F8F0] =	vst v1;
	v1 =	vsub.s32 v5, v0  }
0x80: {  	vm2 =	vgt.u32 v6, $0x61A7;
	vm1 =	vgt.u32 v1, $0x61A7;
	[tilespmem:$0x1F910] =	vst v3;
	v3 =	vadd.s32 $0x61A8, v7  }
0x81: {  	v2 =	vsel vm0, v8, v2;
	v1 =	vsel vm1, v4, v1;
	v3 =	vsel vm2, v3, v6  }
0x82: {  	[tilespmem:$0x1F8E0] =	vst v2  }
0x83: {  	[tilespmem:$0x1F900] =	vst v1  }
0x84: {  	[tilespmem:$0x1F920] =	vst v3  }
0x85: {  	[spmem:s1] =	stream.indirect.scatter.add.f32 [tilespmem:s20], [sflag:$0x3], $0x48, s29, s28, $0xb8;
	[tilespmem:$0x1F9F0] =	vst v63  }
0x86: {  	_ =	swait.ge [sflag:s17], $0x1F80  }
0x87: {  	[sflag:s17] =	ssyncset.done $0x0  }
0x88: {  	s7 =	sadd.s32 $0xE00, s7;
	[sflag:s17] =	ssyncadd.s32 $0xFFFFE080  }
0x89: {  	[tilespmem:s20], [sflag:$0x1] =	stream.strided.gather [hbm4b:s7+s18], $0x1F80, s19, s18, $0x38;
	[tilespmem:$0x1F9F0] =	vst v63  }
0x8a: {  	_ = 	snop  }
0x8b: {  	[tilespmem:s21], [sflag:$0x1] =	stream.linear.gather [hbm4b:s15+s3], $0x70, $0x38;
	[tilespmem:$0x1F9F0] =	vst v63  }
0x8c: {  	_ =	swait.ge [sflag:s30], $0x1F80  }
0x8d: {  	[sflag:s30] =	ssyncset.done $0x0  }
.Ltmp0:
0x8e: {  	[sflag:s30] =	ssyncadd.s32 $0xFFFFE080;
	(pc) =	sbr.rel @p1 .LBB2_2-.Ltmp0, $4  }
0x8f: {  	_ =	swait.ge [sflag:s30], $0x70  }
0x90: {  	[sflag:s30] =	ssyncset.done $0x0  }
0x91: {  	[sflag:s30] =	ssyncadd.s32 $0xFFFFFF90  }
0x92: {  	v1 =	vld [tilespmem:$0x1F8C0]  }
0x93: {  	v2 =	vld [tilespmem:$0x1F880]  }
0x94: {  	v3 =	vld [tilespmem:$0x1F890]  }
0x95: {  	v4 =	vld [tilespmem:$0x1F8A0]  }
0x96: {  	v5 =	vld [tilespmem:$0x1F8B0]  }
0x97: {  	v7 =	vld [tilespmem:$0x1F870]  }
0x98: {  	v10 =	vld [tilespmem:$0x1F8D0]  }
0x99: {  	v6 =	vsub.s32 v1, v0  }
0x9a: {  	v1 =	vand.u32 $0x3F, v1;
	v8 =	vsub.s32 v2, v0;
	v2 =	vand.u32 $0x3F, v2  }
0x9b: {  	vm0 =	vgt.u32 v6, $0x61A7;
	v9 =	vsub.s32 v3, v0;
	v3 =	vand.u32 $0x3F, v3  }
0x9c: {  	v11 =	vsub.s32 v4, v0;
	v4 =	vand.u32 $0x3F, v4;
	v12 =	vsub.s32 v5, v0  }
0x9d: {  	v5 =	vand.u32 $0x3F, v5;
	v13 =	vsub.s32 v7, v0;
	v34 =	vand.u32 $0x3F, v10  }
0x9e: {  	v36 =	vand.u32 $0x3F, v7;
	v1 =	vadd.s32 $0x61A8, v1;
	v2 =	vadd.s32 $0x61A8, v2  }
0x9f: {  	vm2 =	vgt.u32 v12, $0x61A7;
	v5 =	vadd.s32 $0x61A8, v5;
	v1 =	vsel vm0, v1, v6  }
0xa0: {  	vm1 =	vgt.u32 v9, $0x61A7;
	v3 =	vadd.s32 $0x61A8, v3;
	v5 =	vsel vm2, v5, v12;
	[tilespmem:$0x1F9A0] =	vst v1  }
0xa1: {  	vm3 =	vgt.u32 v11, $0x61A7;
	vm8 =	vgt.u32 v8, $0x61A7;
	v3 =	vsel vm1, v3, v9;
	[tilespmem:$0x1F990] =	vst v5  }
0xa2: {  	v4 =	vadd.s32 $0x61A8, v4;
	v2 =	vsel vm8, v2, v8;
	[tilespmem:$0x1F970] =	vst v3;
	v3 =	vsub.s32 v10, v0  }
0xa3: {  	v35 =	vadd.s32 $0x61A8, v34;
	[tilespmem:$0x1F960] =	vst v2;
	v2 =	vsel vm3, v4, v11;
	vm9 =	vgt.u32 v3, $0x61A7  }
0xa4: {  	vm10 =	vgt.u32 v13, $0x61A7;
	[tilespmem:$0x1F980] =	vst v2;
	v2 =	vsel vm9, v35, v3;
	v3 =	vadd.s32 $0x61A8, v36  }
0xa5: {  	[tilespmem:$0x1F9B0] =	vst v2;
	v2 =	vsel vm10, v3, v13  }
0xa6: {  	[tilespmem:$0x1F950] =	vst v2  }
0xa7: {  	[spmem:s1] =	stream.indirect.scatter.add.f32 [tilespmem:s22], [sflag:$0x3], $0x48, s31, s28, $0xb8;
	[tilespmem:$0x1F9F0] =	vst v63  }
0xa8: {  	_ =	swait.ge [sflag:s17], $0x1F80  }
0xa9: {  	[sflag:s17] =	ssyncset.done $0x0  }
0xaa: {  	s2 =	rddreg [dreg:$0x6];
	[sflag:s17] =	ssyncadd.s32 $0xFFFFE080  }
0xab: {  	[tilespmem:s22], [sflag:$0x2] =	stream.strided.gather [hbm4b:s2+s18], $0x1F80, s19, s18, $0x38;
	[tilespmem:$0x1F9F0] =	vst v63  }
0xac: {  	_ = 	snop  }
0xad: {  	[tilespmem:s25], [sflag:$0x2] =	stream.linear.gather [hbm4b:s9+s3], $0x70, $0x38;
	[tilespmem:$0x1F9F0] =	vst v63  }
0xae: {  	_ =	swait.ge [sflag:s26], $0x1F80  }
0xaf: {  	[sflag:s26] =	ssyncset.done $0x0  }
0xb0: {  	[sflag:s26] =	ssyncadd.s32 $0xFFFFE080  }
0xb1: {  	_ =	swait.ge [sflag:s26], $0x70  }
0xb2: {  	[sflag:s26] =	ssyncset.done $0x0  }
0xb3: {  	[sflag:s26] =	ssyncadd.s32 $0xFFFFFF90  }
0xb4: {  	v1 =	vld [tilespmem:$0x1F800]  }
0xb5: {  	v2 =	vld [tilespmem:$0x1F810]  }
0xb6: {  	v3 =	vld [tilespmem:$0x1F820]  }
0xb7: {  	v38 =	vld [tilespmem:$0x1F830]  }
0xb8: {  	v40 =	vld [tilespmem:$0x1F840]  }
0xb9: {  	v42 =	vld [tilespmem:$0x1F850]  }
0xba: {  	v44 =	vld [tilespmem:$0x1F860]  }
0xbb: {  	v37 =	vsub.s32 v1, v0  }
0xbc: {  	v1 =	vand.u32 $0x3F, v1;
	v39 =	vsub.s32 v2, v0;
	v2 =	vand.u32 $0x3F, v2  }
0xbd: {  	v41 =	vsub.s32 v3, v0;
	v3 =	vand.u32 $0x3F, v3;
	v43 =	vsub.s32 v38, v0  }
0xbe: {  	v5 =	vand.u32 $0x3F, v38;
	v45 =	vsub.s32 v40, v0;
	v46 =	vand.u32 $0x3F, v40  }
0xbf: {  	v47 =	vsub.s32 v42, v0;
	v48 =	vand.u32 $0x3F, v44;
	vm11 =	vgt.u32 v37, $0x61A7  }
0xc0: {  	v1 =	vadd.s32 $0x61A8, v1;
	vm12 =	vgt.u32 v39, $0x61A7;
	v2 =	vadd.s32 $0x61A8, v2  }
0xc1: {  	vm13 =	vgt.u32 v41, $0x61A7;
	v3 =	vadd.s32 $0x61A8, v3;
	v1 =	vsel vm11, v1, v37  }
0xc2: {  	vm14 =	vgt.u32 v43, $0x61A7;
	v5 =	vadd.s32 $0x61A8, v5;
	v2 =	vsel vm12, v2, v39;
	[tilespmem:$0x1F8E0] =	vst v1  }
0xc3: {  	vm15 =	vgt.u32 v45, $0x61A7;
	vm4 =	vgt.u32 v47, $0x61A7;
	v3 =	vsel vm13, v3, v41;
	[tilespmem:$0x1F8F0] =	vst v2  }
0xc4: {  	v1 =	vsel vm14, v5, v43;
	v2 =	vadd.s32 $0x61A8, v46;
	[tilespmem:$0x1F900] =	vst v3;
	v3 =	vand.u32 $0x3F, v42  }
0xc5: {  	v2 =	vsel vm15, v2, v45;
	[tilespmem:$0x1F910] =	vst v1;
	v1 =	vadd.s32 $0x61A8, v3;
	v3 =	vsub.s32 v44, v0  }
0xc6: {  	[tilespmem:$0x1F920] =	vst v2;
	v1 =	vsel vm4, v1, v47;
	vm5 =	vgt.u32 v3, $0x61A7;
	v2 =	vadd.s32 $0x61A8, v48  }
0xc7: {  	[tilespmem:$0x1F930] =	vst v1;
	v1 =	vsel vm5, v2, v3  }
0xc8: {  	[tilespmem:$0x1F940] =	vst v1  }
0xc9: {  	[spmem:s1] =	stream.indirect.scatter.add.f32 [tilespmem:s20], [sflag:$0x3], $0x48, s29, s28, $0xb8;
	[tilespmem:$0x1F9F0] =	vst v63  }
0xca: {  	_ =	swait.ge [sflag:s17], $0x1F80  }
0xcb: {  	[sflag:s17] =	ssyncset.done $0x0  }
0xcc: {  	[sflag:s17] =	ssyncadd.s32 $0xFFFFE080  }
0xcd: {  	_ =	swait.ge [sflag:s30], $0x1F80  }
0xce: {  	[sflag:s30] =	ssyncset.done $0x0  }
0xcf: {  	[sflag:s30] =	ssyncadd.s32 $0xFFFFE080  }
0xd0: {  	_ =	swait.ge [sflag:s30], $0x70  }
0xd1: {  	[sflag:s30] =	ssyncset.done $0x0  }
0xd2: {  	[sflag:s30] =	ssyncadd.s32 $0xFFFFFF90  }
0xd3: {  	v1 =	vld [tilespmem:$0x1F870]  }
0xd4: {  	v2 =	vld [tilespmem:$0x1F880]  }
0xd5: {  	v3 =	vld [tilespmem:$0x1F890]  }
0xd6: {  	v50 =	vld [tilespmem:$0x1F8A0]  }
0xd7: {  	v52 =	vld [tilespmem:$0x1F8B0]  }
0xd8: {  	v54 =	vld [tilespmem:$0x1F8C0]  }
0xd9: {  	v56 =	vld [tilespmem:$0x1F8D0]  }
0xda: {  	v49 =	vsub.s32 v1, v0  }
0xdb: {  	v1 =	vand.u32 $0x3F, v1;
	v51 =	vsub.s32 v2, v0;
	v2 =	vand.u32 $0x3F, v2  }
0xdc: {  	v53 =	vsub.s32 v3, v0;
	v3 =	vand.u32 $0x3F, v3;
	v55 =	vsub.s32 v50, v0  }
0xdd: {  	v5 =	vand.u32 $0x3F, v50;
	v57 =	vsub.s32 v52, v0;
	v58 =	vand.u32 $0x3F, v52  }
0xde: {  	v59 =	vsub.s32 v54, v0;
	v60 =	vand.u32 $0x3F, v56;
	vm6 =	vgt.u32 v49, $0x61A7  }
0xdf: {  	v1 =	vadd.s32 $0x61A8, v1;
	vm7 =	vgt.u32 v51, $0x61A7;
	v2 =	vadd.s32 $0x61A8, v2  }
0xe0: {  	vm8 =	vgt.u32 v53, $0x61A7;
	v3 =	vadd.s32 $0x61A8, v3;
	v1 =	vsel vm6, v1, v49  }
0xe1: {  	vm9 =	vgt.u32 v55, $0x61A7;
	v5 =	vadd.s32 $0x61A8, v5;
	v2 =	vsel vm7, v2, v51;
	[tilespmem:$0x1F950] =	vst v1  }
0xe2: {  	vm10 =	vgt.u32 v57, $0x61A7;
	vm11 =	vgt.u32 v59, $0x61A7;
	v3 =	vsel vm8, v3, v53;
	[tilespmem:$0x1F960] =	vst v2  }
0xe3: {  	v1 =	vsel vm9, v5, v55;
	v2 =	vadd.s32 $0x61A8, v58;
	[tilespmem:$0x1F970] =	vst v3;
	v3 =	vand.u32 $0x3F, v54  }
0xe4: {  	v2 =	vsel vm10, v2, v57;
	[tilespmem:$0x1F980] =	vst v1;
	v1 =	vadd.s32 $0x61A8, v3;
	v3 =	vsub.s32 v56, v0  }
0xe5: {  	[tilespmem:$0x1F990] =	vst v2;
	v1 =	vsel vm11, v1, v59;
	vm12 =	vgt.u32 v3, $0x61A7;
	v2 =	vadd.s32 $0x61A8, v60  }
0xe6: {  	[tilespmem:$0x1F9A0] =	vst v1;
	v1 =	vsel vm12, v2, v3  }
0xe7: {  	[tilespmem:$0x1F9B0] =	vst v1  }
0xe8: {  	[spmem:s1] =	stream.indirect.scatter.add.f32 [tilespmem:s22], [sflag:$0x3], $0x48, s31, s28, $0xb8;
	[tilespmem:$0x1F9F0] =	vst v63  }
0xe9: {  	_ =	swait.ge [sflag:s17], $0x1F80  }
0xea: {  	[sflag:s17] =	ssyncset.done $0x0  }
0xeb: {  	[sflag:s17] =	ssyncadd.s32 $0xFFFFE080  }
0xec: {  	[tilespmem:s20], [sflag:$0x3] =	stream.strided.gather [hbm4b:s10+s18], $0xD80, s19, s18, $0x38;
	[tilespmem:$0x1F9F0] =	vst v63  }
0xed: {  	_ =	swait.ge [sflag:s17], $0xD80  }
0xee: {  	[sflag:s17] =	ssyncset.done $0x0  }
0xef: {  	[sflag:s17] =	ssyncadd.s32 $0xFFFFF280  }
0xf0: {  	[tilespmem:s21], [sflag:$0x3] =	stream.linear.gather [hbm4b:s11+s3], $0x30, $0x38;
	[tilespmem:$0x1F9F0] =	vst v63  }
0xf1: {  	_ =	swait.ge [sflag:s17], $0x30  }
0xf2: {  	[sflag:s17] =	ssyncset.done $0x0  }
0xf3: {  	[sflag:s17] =	ssyncadd.s32 $0xFFFFFFD0  }
0xf4: {  	v1 =	vld [tilespmem:$0x1F800]  }
0xf5: {  	v2 =	vld [tilespmem:$0x1F810]  }
0xf6: {  	v3 =	vld [tilespmem:$0x1F820];
	_ =	sdelay $0x3  }
0xf7: {  	v61 =	vsub.s32 v1, v0;
	v1 =	vand.u32 $0x3F, v1  }
0xf8: {  	v62 =	vsub.s32 v2, v0;
	v2 =	vand.u32 $0x3F, v2;
	v63 =	vsub.s32 v3, v0  }
0xf9: {  	v3 =	vand.u32 $0x3F, v3;
	vm13 =	vgt.u32 v61, $0x61A7;
	v1 =	vadd.s32 $0x61A8, v1  }
0xfa: {  	vm14 =	vgt.u32 v62, $0x61A7;
	v2 =	vadd.s32 $0x61A8, v2;
	v1 =	vsel vm13, v1, v61  }
0xfb: {  	vm15 =	vgt.u32 v63, $0x61A7;
	[tilespmem:$0x1F9C0] =	vst v1;
	v1 =	vsel vm14, v2, v62;
	v2 =	vadd.s32 $0x61A8, v3  }
0xfc: {  	[tilespmem:$0x1F9D0] =	vst v1;
	v1 =	vsel vm15, v2, v63  }
0xfd: {  	s15 =	simm.s32 $0x30;
	s7 =	simm.s32 $0x1F9C0;
	[tilespmem:$0x1F9E0] =	vst v1  }
0xfe: {  	[spmem:s1] =	stream.indirect.scatter.add.f32 [tilespmem:s20], [sflag:$0x3], $0x48, s7, s15, $0xb8;
	[tilespmem:$0x1F9F0] =	vst v63  }
0xff: {  	_ =	swait.ge [sflag:s17], $0xD80  }
0x100: {  	[sflag:s17] =	ssyncset.done $0x0  }
0x101: {  	[sflag:s17] =	ssyncadd.s32 $0xFFFFF280  }
0x102: {  	[bflag:$0x0] =	sbarrier.arrive $0xFFFF  }
0x103: {  	[hbm:s12], [sflag:s5] =	dma.local [spmem:s23], $0x36D8  }
0x104: {  	s0 =	sadd.s32 $0x1, s0;
	_ =	swait.ge [sflag:s17], $0x36D8  }
0x105: {  	p1 =	sne.s32 s0, s14;
	[sflag:s17] =	ssyncset.done $0x0  }
.Ltmp1:
0x106: {  	s2 =	simm.s32 @!p0 $0x3;
	[sflag:s17] =	ssyncadd.s32 $0xFFFFC928;
	(pc) =	sbr.rel @p1 .LBB2_1-.Ltmp1, $4  }
0x107: {  	[hbm:s13], [sflag:s5] =	dma.local @!p0 [spmem:s24], $0x168  }
0x108: {  	_ =	swait.ge @!p0 [sflag:s2], $0x168  }
0x109: {  	[sflag:s2] =	ssyncset.done @!p0 $0x0  }
0x10a: {  	[sflag:s2] =	ssyncadd.s32 @!p0 $0xFFFFFE98  }
0x10b: {  	_ =	sfence.sel $0x180000  }
0x10c: {  	[bflag:$0x0] =	sbarrier.arrive $0xFFFF  }
0x10d: {  	_ =	strace $0x90000047  }
0x10e: {  	s0 =	stileid.u32;
	[bflag:$0x2] =	sbarrier.arrive $0xFFFF  }
0x10f: {  	p0 =	sne.s32 s0, $0x0;
	s0 =	rddreg [dreg:$0x3]  }
0x110: {  	s0 =	sadd.s32 @!p0 $0x100000, s0  }
0x111: {  	[sflag:s0] =	ssyncadd.tile.s32 @!p0 $0x1;
	_ =	shalt  }
.Lfunc_end2:
_tile_overlayer_lowered:
.L_overlay_start_2:
0x112: {  	(tag) =	ssettag $0x2  }
0x113: {  	s0 =	rddreg [dreg:$0x0];
	s2 =	stileid.u32  }
0x114: {  	s1 =	rddreg [dreg:$0x1];
	p0 =	sne.s32 s2, $0x0  }
0x115: {  	s3 =	rddreg [dreg:$0x2];
	[bflag:$0x3] =	sbarrier.arrive $0xFFFF;
	s2 =	simm.s32 @!p0 $0x1C03  }
0x116: {  	[timem:s3], [sflag:s2] =	dma.local @!p0 [hbm:s0], s1  }
0x117: {  	s0 =	simm.s32 @!p0 $0x3  }
0x118: {  	_ =	swait.ge @!p0 [sflag:s0], s1  }
0x119: {  	s1 =	ssub.s32 @!p0 $0x0, s1;
	[sflag:s0] =	ssyncset.done @!p0 $0x0  }
0x11a: {  	[sflag:s0] =	ssyncadd.s32 @!p0 s1  }
0x11b: {  	[bflag:$0x3] =	sbarrier.arrive $0xFFFF  }
0x11c: {  	_ =	shalt  }

</sc_bundles>
